<compile_context>
chip_gen: v7x
topology: tpu7x:2x2x1
jax: 0.10.2.dev20260603
libtpu: 0.0.44.dev20260713+nightly
codegen_flags: <defaults>
</compile_context>

<pallas_src>
import functools

import jax
import jax.numpy as jnp
from jax import lax
from jax.experimental import pallas as pl
from jax.experimental.pallas import tpu as pltpu
from jax.experimental.pallas import tpu_sc as plsc

_SUB = 64
_BIG = 256
_NSUB = _BIG // _SUB
_NBUF = 3
_LANES = 16


def _make_sc_gather(n, c, m):
  info = plsc.get_sparse_core_info()
  nw = info.num_cores * info.num_subcores
  rows_per_w = m // nw
  n_bigs = rows_per_w // _BIG
  assert m == nw * rows_per_w and rows_per_w == n_bigs * _BIG

  mesh = plsc.VectorSubcoreMesh(core_axis_name="c", subcore_axis_name="s")

  @functools.partial(
      pl.kernel,
      out_type=jax.ShapeDtypeStruct((m, c), jnp.float32),
      mesh=mesh,
      scratch_types=(
          [pltpu.VMEM((rows_per_w,), jnp.int32)]
          + [pltpu.VMEM((_BIG, c), jnp.float32) for _ in range(_NBUF)]
          + [pltpu.SemaphoreType.DMA for _ in range(_NBUF)]
      ),
  )
  def gather_kernel(data_hbm, idx_hbm, out_hbm, idx_v, *bufs_sems):
    bufs = bufs_sems[:_NBUF]
    sems = bufs_sems[_NBUF:]
    wid = lax.axis_index("s") * info.num_cores + lax.axis_index("c")
    base = wid * rows_per_w

    pltpu.sync_copy(idx_hbm.at[pl.ds(base, rows_per_w)], idx_v)

    def shift_big(k):
      for i in range(_BIG // _LANES):
        sl = pl.ds(k * _BIG + i * _LANES, _LANES)
        idx_v[sl] = lax.shift_right_logical(idx_v[sl], 3)

    def start(k, b):
      for s in range(_NSUB):
        pltpu.async_copy(
            data_hbm.at[idx_v.at[pl.ds(k * _BIG + s * _SUB, _SUB)]],
            bufs[b].at[pl.ds(s * _SUB, _SUB)],
            sems[b],
        )

    def drain(k, b):
      for s in range(_NSUB):
        pltpu.make_async_copy(
            data_hbm.at[idx_v.at[pl.ds(k * _BIG + s * _SUB, _SUB)]],
            bufs[b].at[pl.ds(s * _SUB, _SUB)],
            sems[b],
        ).wait()

    for b in range(_NBUF):
      shift_big(b)
      start(b, b)

    def group_body(g, carry):
      for j in range(_NBUF):
        k = g * _NBUF + j
        drain(k, j)
        pltpu.sync_copy(
            bufs[j], out_hbm.at[pl.ds(base + k * _BIG, _BIG)]
        )

        @pl.when(k + _NBUF < n_bigs)
        def _():
          shift_big(k + _NBUF)
          start(k + _NBUF, j)

      return carry

    n_groups = n_bigs // _NBUF
    lax.fori_loop(0, n_groups, group_body, 0)

    for k in range(n_groups * _NBUF, n_bigs):
      j = k % _NBUF
      drain(k, j)
      pltpu.sync_copy(bufs[j], out_hbm.at[pl.ds(base + k * _BIG, _BIG)])

  return gather_kernel


def kernel(data, child_idx, depth):
  n, c = data.shape
  (m,) = child_idx.shape
  return _make_sc_gather(n, c, m)(data, child_idx)

# --- scband reference (transcript-rebuilt; emitter-appended) ---
"""Pipeline reference for scband-octree-upsample-18236431139443 (READ-ONLY COPY).

The authoritative reference and input builder live on the scoring server;
editing this copy changes nothing except your own understanding.
"""

import jax, jax.numpy as jnp
import numpy as np

N = 65536
C = 128
M = 262144

def setup_inputs(seed: int = 0) -> dict:
    key = jax.random.key(seed)
    k1, k2 = jax.random.split(key)
    data = jax.random.normal(k1, (N, C), dtype=jnp.float32)
    # indices of non-empty children among the 8*N candidate child slots (octree_depad at depth+1)
    child_idx = jnp.sort(jax.random.randint(k2, (M,), 0, 8 * N, dtype=jnp.int32))
    return {"data": data, "child_idx": child_idx, "depth": 5}

def reference(data, child_idx, depth):
    # OctreeUpsample with nempty=True:
    #   out = data.unsqueeze(1).repeat(1, 8, 1).flatten(end_dim=1)  -> repeat each parent feature 8x
    #   out = octree_depad(out, octree, depth + 1)                  -> gather rows of non-empty children
    out = jnp.repeat(data, 8, axis=0)          # [8*N, C], nearest-neighbor upsample to child slots
    out = jnp.take(out, child_idx, axis=0)     # [M, C], keep only non-empty children (depad)
    return out

if __name__ == "__main__":
    import jax
    _d = setup_inputs()
    print(jax.jit(kernel)(*tuple(_d.values())))

</pallas_src>

<mosaic_0001>
#map = affine_map<(d0, d1) -> (0, 0)>
#map1 = affine_map<(d0, d1) -> (0)>
module attributes {stable_mosaic.version = 14 : i64} {
  func.func @gather_kernel(%arg0: i32, %arg1: i32, %arg2: memref<65536x128xf32, #tpu.memory_space<hbm>>, %arg3: memref<262144xi32, #tpu.memory_space<hbm>>, %arg4: memref<262144x128xf32, #tpu.memory_space<hbm>>, %arg5: memref<8192xi32, #tpu.memory_space<vmem>>, %arg6: memref<256x128xf32, #tpu.memory_space<vmem>>, %arg7: memref<256x128xf32, #tpu.memory_space<vmem>>, %arg8: memref<256x128xf32, #tpu.memory_space<vmem>>, %arg9: memref<!tpu.dma_semaphore, #tpu.memory_space<semaphore_mem>>, %arg10: memref<!tpu.dma_semaphore, #tpu.memory_space<semaphore_mem>>, %arg11: memref<!tpu.dma_semaphore, #tpu.memory_space<semaphore_mem>>) attributes {dimension_semantics = [#tpu.dimension_semantics<core_parallel>, #tpu.dimension_semantics<subcore_parallel>], iteration_bounds = array<i64: 2, 16>, scalar_prefetch = 0 : i64, scratch_operands = 7 : i64, tpu.core_type = #tpu.core_type<sc_vector_subcore>, window_params = [{transform_indices = #map}, {transform_indices = #map1}, {transform_indices = #map}]} {
    %mul3A = arith.constant 2 : i32
    %mul3A_0 = arith.muli %arg1, %mul3A : i32
    %add3A = arith.addi %mul3A_0, %arg0 : i32
    %mul3A_1 = arith.constant 8192 : i32
    %mul3A_2 = arith.muli %add3A, %mul3A_1 : i32
    "tpu.region"() ({
      %run_scoped3A = tpu.sem_alloc : memref<!tpu.dma_semaphore, #tpu.memory_space<semaphore_mem>>
      %dma_start3A_647 = tpu.memref_slice %arg3[%mul3A_2] : memref<262144xi32, #tpu.memory_space<hbm>> -> memref<8192xi32, #tpu.memory_space<hbm>>
      %dma_start3A_648 = tpu.memref_slice %arg3[%mul3A_2] : memref<262144xi32, #tpu.memory_space<hbm>> -> memref<8192xi32, #tpu.memory_space<hbm>>
      tpu.enqueue_dma source(%dma_start3A_648 : memref<8192xi32, #tpu.memory_space<hbm>>) target(%arg5 : memref<8192xi32, #tpu.memory_space<vmem>>) target_semaphore(%run_scoped3A : memref<!tpu.dma_semaphore, #tpu.memory_space<semaphore_mem>>)
      %dma_wait3A_649 = tpu.memref_slice %arg3[%mul3A_2] : memref<262144xi32, #tpu.memory_space<hbm>> -> memref<8192xi32, #tpu.memory_space<hbm>>
      %dma_wait3A_650 = tpu.memref_slice %arg3[%mul3A_2] : memref<262144xi32, #tpu.memory_space<hbm>> -> memref<8192xi32, #tpu.memory_space<hbm>>
      tpu.wait_dma2 semaphore(%run_scoped3A : memref<!tpu.dma_semaphore, #tpu.memory_space<semaphore_mem>>) src(%dma_wait3A_650 : memref<8192xi32, #tpu.memory_space<hbm>>) dst(%arg5 : memref<8192xi32, #tpu.memory_space<vmem>>)
      tpu.yield
    }) : () -> ()
    %get3A = arith.constant 0 : index
    %get3A_3 = tpu.vector_load %arg5[%get3A] {strides = array<i32>} : memref<8192xi32, #tpu.memory_space<vmem>>, vector<16xi32>,
    %get3A_4 = vector.shape_cast %get3A_3 : vector<16xi32> to vector<16xi32>
    %shift_right_logical3A = arith.constant 3 : i32
    %shift_right_logical3A_5 = vector.broadcast %shift_right_logical3A : i32 to vector<16xi32>
    %shift_right_logical3A_6 = arith.shrui %get3A_4, %shift_right_logical3A_5 : vector<16xi32>
    %swap3A = arith.constant 0 : index
    %swap3A_7 = tpu.vector_load %arg5[%swap3A] {strides = array<i32>} : memref<8192xi32, #tpu.memory_space<vmem>>, vector<16xi32>,
    %swap3A_8 = vector.shape_cast %swap3A_7 : vector<16xi32> to vector<16xi32>
    %swap3A_9 = vector.shape_cast %shift_right_logical3A_6 : vector<16xi32> to vector<16xi32>
    tpu.vector_store %arg5[%swap3A], %swap3A_9 {strides = array<i32>} : memref<8192xi32, #tpu.memory_space<vmem>>, vector<16xi32>,
    %get3A_10 = arith.constant 16 : index
    %get3A_11 = tpu.vector_load %arg5[%get3A_10] {strides = array<i32>} : memref<8192xi32, #tpu.memory_space<vmem>>, vector<16xi32>,
    %get3A_12 = vector.shape_cast %get3A_11 : vector<16xi32> to vector<16xi32>
    %shift_right_logical3A_13 = arith.constant 3 : i32
    %shift_right_logical3A_14 = vector.broadcast %shift_right_logical3A_13 : i32 to vector<16xi32>
    %shift_right_logical3A_15 = arith.shrui %get3A_12, %shift_right_logical3A_14 : vector<16xi32>
    %swap3A_16 = arith.constant 16 : index
    %swap3A_17 = tpu.vector_load %arg5[%swap3A_16] {strides = array<i32>} : memref<8192xi32, #tpu.memory_space<vmem>>, vector<16xi32>,
    %swap3A_18 = vector.shape_cast %swap3A_17 : vector<16xi32> to vector<16xi32>
    %swap3A_19 = vector.shape_cast %shift_right_logical3A_15 : vector<16xi32> to vector<16xi32>
    tpu.vector_store %arg5[%swap3A_16], %swap3A_19 {strides = array<i32>} : memref<8192xi32, #tpu.memory_space<vmem>>, vector<16xi32>,
    %get3A_20 = arith.constant 32 : index
    %get3A_21 = tpu.vector_load %arg5[%get3A_20] {strides = array<i32>} : memref<8192xi32, #tpu.memory_space<vmem>>, vector<16xi32>,
    %get3A_22 = vector.shape_cast %get3A_21 : vector<16xi32> to vector<16xi32>
    %shift_right_logical3A_23 = arith.constant 3 : i32
    %shift_right_logical3A_24 = vector.broadcast %shift_right_logical3A_23 : i32 to vector<16xi32>
    %shift_right_logical3A_25 = arith.shrui %get3A_22, %shift_right_logical3A_24 : vector<16xi32>
    %swap3A_26 = arith.constant 32 : index
    %swap3A_27 = tpu.vector_load %arg5[%swap3A_26] {strides = array<i32>} : memref<8192xi32, #tpu.memory_space<vmem>>, vector<16xi32>,
    %swap3A_28 = vector.shape_cast %swap3A_27 : vector<16xi32> to vector<16xi32>
    %swap3A_29 = vector.shape_cast %shift_right_logical3A_25 : vector<16xi32> to vector<16xi32>
    tpu.vector_store %arg5[%swap3A_26], %swap3A_29 {strides = array<i32>} : memref<8192xi32, #tpu.memory_space<vmem>>, vector<16xi32>,
    %get3A_30 = arith.constant 48 : index
    %get3A_31 = tpu.vector_load %arg5[%get3A_30] {strides = array<i32>} : memref<8192xi32, #tpu.memory_space<vmem>>, vector<16xi32>,
    %get3A_32 = vector.shape_cast %get3A_31 : vector<16xi32> to vector<16xi32>
    %shift_right_logical3A_33 = arith.constant 3 : i32
    %shift_right_logical3A_34 = vector.broadcast %shift_right_logical3A_33 : i32 to vector<16xi32>
    %shift_right_logical3A_35 = arith.shrui %get3A_32, %shift_right_logical3A_34 : vector<16xi32>
    %swap3A_36 = arith.constant 48 : index
    %swap3A_37 = tpu.vector_load %arg5[%swap3A_36] {strides = array<i32>} : memref<8192xi32, #tpu.memory_space<vmem>>, vector<16xi32>,
    %swap3A_38 = vector.shape_cast %swap3A_37 : vector<16xi32> to vector<16xi32>
    %swap3A_39 = vector.shape_cast %shift_right_logical3A_35 : vector<16xi32> to vector<16xi32>
    tpu.vector_store %arg5[%swap3A_36], %swap3A_39 {strides = array<i32>} : memref<8192xi32, #tpu.memory_space<vmem>>, vector<16xi32>,
    %get3A_40 = arith.constant 64 : index
    %get3A_41 = tpu.vector_load %arg5[%get3A_40] {strides = array<i32>} : memref<8192xi32, #tpu.memory_space<vmem>>, vector<16xi32>,
    %get3A_42 = vector.shape_cast %get3A_41 : vector<16xi32> to vector<16xi32>
    %shift_right_logical3A_43 = arith.constant 3 : i32
    %shift_right_logical3A_44 = vector.broadcast %shift_right_logical3A_43 : i32 to vector<16xi32>
    %shift_right_logical3A_45 = arith.shrui %get3A_42, %shift_right_logical3A_44 : vector<16xi32>
    %swap3A_46 = arith.constant 64 : index
    %swap3A_47 = tpu.vector_load %arg5[%swap3A_46] {strides = array<i32>} : memref<8192xi32, #tpu.memory_space<vmem>>, vector<16xi32>,
    %swap3A_48 = vector.shape_cast %swap3A_47 : vector<16xi32> to vector<16xi32>
    %swap3A_49 = vector.shape_cast %shift_right_logical3A_45 : vector<16xi32> to vector<16xi32>
    tpu.vector_store %arg5[%swap3A_46], %swap3A_49 {strides = array<i32>} : memref<8192xi32, #tpu.memory_space<vmem>>, vector<16xi32>,
    %get3A_50 = arith.constant 80 : index
    %get3A_51 = tpu.vector_load %arg5[%get3A_50] {strides = array<i32>} : memref<8192xi32, #tpu.memory_space<vmem>>, vector<16xi32>,
    %get3A_52 = vector.shape_cast %get3A_51 : vector<16xi32> to vector<16xi32>
    %shift_right_logical3A_53 = arith.constant 3 : i32
    %shift_right_logical3A_54 = vector.broadcast %shift_right_logical3A_53 : i32 to vector<16xi32>
    %shift_right_logical3A_55 = arith.shrui %get3A_52, %shift_right_logical3A_54 : vector<16xi32>
    %swap3A_56 = arith.constant 80 : index
    %swap3A_57 = tpu.vector_load %arg5[%swap3A_56] {strides = array<i32>} : memref<8192xi32, #tpu.memory_space<vmem>>, vector<16xi32>,
    %swap3A_58 = vector.shape_cast %swap3A_57 : vector<16xi32> to vector<16xi32>
    %swap3A_59 = vector.shape_cast %shift_right_logical3A_55 : vector<16xi32> to vector<16xi32>
    tpu.vector_store %arg5[%swap3A_56], %swap3A_59 {strides = array<i32>} : memref<8192xi32, #tpu.memory_space<vmem>>, vector<16xi32>,
    %get3A_60 = arith.constant 96 : index
    %get3A_61 = tpu.vector_load %arg5[%get3A_60] {strides = array<i32>} : memref<8192xi32, #tpu.memory_space<vmem>>, vector<16xi32>,
    %get3A_62 = vector.shape_cast %get3A_61 : vector<16xi32> to vector<16xi32>
    %shift_right_logical3A_63 = arith.constant 3 : i32
    %shift_right_logical3A_64 = vector.broadcast %shift_right_logical3A_63 : i32 to vector<16xi32>
    %shift_right_logical3A_65 = arith.shrui %get3A_62, %shift_right_logical3A_64 : vector<16xi32>
    %swap3A_66 = arith.constant 96 : index
    %swap3A_67 = tpu.vector_load %arg5[%swap3A_66] {strides = array<i32>} : memref<8192xi32, #tpu.memory_space<vmem>>, vector<16xi32>,
    %swap3A_68 = vector.shape_cast %swap3A_67 : vector<16xi32> to vector<16xi32>
    %swap3A_69 = vector.shape_cast %shift_right_logical3A_65 : vector<16xi32> to vector<16xi32>
    tpu.vector_store %arg5[%swap3A_66], %swap3A_69 {strides = array<i32>} : memref<8192xi32, #tpu.memory_space<vmem>>, vector<16xi32>,
    %get3A_70 = arith.constant 112 : index
    %get3A_71 = tpu.vector_load %arg5[%get3A_70] {strides = array<i32>} : memref<8192xi32, #tpu.memory_space<vmem>>, vector<16xi32>,
    %get3A_72 = vector.shape_cast %get3A_71 : vector<16xi32> to vector<16xi32>
    %shift_right_logical3A_73 = arith.constant 3 : i32
    %shift_right_logical3A_74 = vector.broadcast %shift_right_logical3A_73 : i32 to vector<16xi32>
    %shift_right_logical3A_75 = arith.shrui %get3A_72, %shift_right_logical3A_74 : vector<16xi32>
    %swap3A_76 = arith.constant 112 : index
    %swap3A_77 = tpu.vector_load %arg5[%swap3A_76] {strides = array<i32>} : memref<8192xi32, #tpu.memory_space<vmem>>, vector<16xi32>,
    %swap3A_78 = vector.shape_cast %swap3A_77 : vector<16xi32> to vector<16xi32>
    %swap3A_79 = vector.shape_cast %shift_right_logical3A_75 : vector<16xi32> to vector<16xi32>
    tpu.vector_store %arg5[%swap3A_76], %swap3A_79 {strides = array<i32>} : memref<8192xi32, #tpu.memory_space<vmem>>, vector<16xi32>,
    %get3A_80 = arith.constant 128 : index
    %get3A_81 = tpu.vector_load %arg5[%get3A_80] {strides = array<i32>} : memref<8192xi32, #tpu.memory_space<vmem>>, vector<16xi32>,
    %get3A_82 = vector.shape_cast %get3A_81 : vector<16xi32> to vector<16xi32>
    %shift_right_logical3A_83 = arith.constant 3 : i32
    %shift_right_logical3A_84 = vector.broadcast %shift_right_logical3A_83 : i32 to vector<16xi32>
    %shift_right_logical3A_85 = arith.shrui %get3A_82, %shift_right_logical3A_84 : vector<16xi32>
    %swap3A_86 = arith.constant 128 : index
    %swap3A_87 = tpu.vector_load %arg5[%swap3A_86] {strides = array<i32>} : memref<8192xi32, #tpu.memory_space<vmem>>, vector<16xi32>,
    %swap3A_88 = vector.shape_cast %swap3A_87 : vector<16xi32> to vector<16xi32>
    %swap3A_89 = vector.shape_cast %shift_right_logical3A_85 : vector<16xi32> to vector<16xi32>
    tpu.vector_store %arg5[%swap3A_86], %swap3A_89 {strides = array<i32>} : memref<8192xi32, #tpu.memory_space<vmem>>, vector<16xi32>,
    %get3A_90 = arith.constant 144 : index
    %get3A_91 = tpu.vector_load %arg5[%get3A_90] {strides = array<i32>} : memref<8192xi32, #tpu.memory_space<vmem>>, vector<16xi32>,
    %get3A_92 = vector.shape_cast %get3A_91 : vector<16xi32> to vector<16xi32>
    %shift_right_logical3A_93 = arith.constant 3 : i32
    %shift_right_logical3A_94 = vector.broadcast %shift_right_logical3A_93 : i32 to vector<16xi32>
    %shift_right_logical3A_95 = arith.shrui %get3A_92, %shift_right_logical3A_94 : vector<16xi32>
    %swap3A_96 = arith.constant 144 : index
    %swap3A_97 = tpu.vector_load %arg5[%swap3A_96] {strides = array<i32>} : memref<8192xi32, #tpu.memory_space<vmem>>, vector<16xi32>,
    %swap3A_98 = vector.shape_cast %swap3A_97 : vector<16xi32> to vector<16xi32>
    %swap3A_99 = vector.shape_cast %shift_right_logical3A_95 : vector<16xi32> to vector<16xi32>
    tpu.vector_store %arg5[%swap3A_96], %swap3A_99 {strides = array<i32>} : memref<8192xi32, #tpu.memory_space<vmem>>, vector<16xi32>,
    %get3A_100 = arith.constant 160 : index
    %get3A_101 = tpu.vector_load %arg5[%get3A_100] {strides = array<i32>} : memref<8192xi32, #tpu.memory_space<vmem>>, vector<16xi32>,
    %get3A_102 = vector.shape_cast %get3A_101 : vector<16xi32> to vector<16xi32>
    %shift_right_logical3A_103 = arith.constant 3 : i32
    %shift_right_logical3A_104 = vector.broadcast %shift_right_logical3A_103 : i32 to vector<16xi32>
    %shift_right_logical3A_105 = arith.shrui %get3A_102, %shift_right_logical3A_104 : vector<16xi32>
    %swap3A_106 = arith.constant 160 : index
    %swap3A_107 = tpu.vector_load %arg5[%swap3A_106] {strides = array<i32>} : memref<8192xi32, #tpu.memory_space<vmem>>, vector<16xi32>,
    %swap3A_108 = vector.shape_cast %swap3A_107 : vector<16xi32> to vector<16xi32>
    %swap3A_109 = vector.shape_cast %shift_right_logical3A_105 : vector<16xi32> to vector<16xi32>
    tpu.vector_store %arg5[%swap3A_106], %swap3A_109 {strides = array<i32>} : memref<8192xi32, #tpu.memory_space<vmem>>, vector<16xi32>,
    %get3A_110 = arith.constant 176 : index
    %get3A_111 = tpu.vector_load %arg5[%get3A_110] {strides = array<i32>} : memref<8192xi32, #tpu.memory_space<vmem>>, vector<16xi32>,
    %get3A_112 = vector.shape_cast %get3A_111 : vector<16xi32> to vector<16xi32>
    %shift_right_logical3A_113 = arith.constant 3 : i32
    %shift_right_logical3A_114 = vector.broadcast %shift_right_logical3A_113 : i32 to vector<16xi32>
    %shift_right_logical3A_115 = arith.shrui %get3A_112, %shift_right_logical3A_114 : vector<16xi32>
    %swap3A_116 = arith.constant 176 : index
    %swap3A_117 = tpu.vector_load %arg5[%swap3A_116] {strides = array<i32>} : memref<8192xi32, #tpu.memory_space<vmem>>, vector<16xi32>,
    %swap3A_118 = vector.shape_cast %swap3A_117 : vector<16xi32> to vector<16xi32>
    %swap3A_119 = vector.shape_cast %shift_right_logical3A_115 : vector<16xi32> to vector<16xi32>
    tpu.vector_store %arg5[%swap3A_116], %swap3A_119 {strides = array<i32>} : memref<8192xi32, #tpu.memory_space<vmem>>, vector<16xi32>,
    %get3A_120 = arith.constant 192 : index
    %get3A_121 = tpu.vector_load %arg5[%get3A_120] {strides = array<i32>} : memref<8192xi32, #tpu.memory_space<vmem>>, vector<16xi32>,
    %get3A_122 = vector.shape_cast %get3A_121 : vector<16xi32> to vector<16xi32>
    %shift_right_logical3A_123 = arith.constant 3 : i32
    %shift_right_logical3A_124 = vector.broadcast %shift_right_logical3A_123 : i32 to vector<16xi32>
    %shift_right_logical3A_125 = arith.shrui %get3A_122, %shift_right_logical3A_124 : vector<16xi32>
    %swap3A_126 = arith.constant 192 : index
    %swap3A_127 = tpu.vector_load %arg5[%swap3A_126] {strides = array<i32>} : memref<8192xi32, #tpu.memory_space<vmem>>, vector<16xi32>,
    %swap3A_128 = vector.shape_cast %swap3A_127 : vector<16xi32> to vector<16xi32>
    %swap3A_129 = vector.shape_cast %shift_right_logical3A_125 : vector<16xi32> to vector<16xi32>
    tpu.vector_store %arg5[%swap3A_126], %swap3A_129 {strides = array<i32>} : memref<8192xi32, #tpu.memory_space<vmem>>, vector<16xi32>,
    %get3A_130 = arith.constant 208 : index
    %get3A_131 = tpu.vector_load %arg5[%get3A_130] {strides = array<i32>} : memref<8192xi32, #tpu.memory_space<vmem>>, vector<16xi32>,
    %get3A_132 = vector.shape_cast %get3A_131 : vector<16xi32> to vector<16xi32>
    %shift_right_logical3A_133 = arith.constant 3 : i32
    %shift_right_logical3A_134 = vector.broadcast %shift_right_logical3A_133 : i32 to vector<16xi32>
    %shift_right_logical3A_135 = arith.shrui %get3A_132, %shift_right_logical3A_134 : vector<16xi32>
    %swap3A_136 = arith.constant 208 : index
    %swap3A_137 = tpu.vector_load %arg5[%swap3A_136] {strides = array<i32>} : memref<8192xi32, #tpu.memory_space<vmem>>, vector<16xi32>,
    %swap3A_138 = vector.shape_cast %swap3A_137 : vector<16xi32> to vector<16xi32>
    %swap3A_139 = vector.shape_cast %shift_right_logical3A_135 : vector<16xi32> to vector<16xi32>
    tpu.vector_store %arg5[%swap3A_136], %swap3A_139 {strides = array<i32>} : memref<8192xi32, #tpu.memory_space<vmem>>, vector<16xi32>,
    %get3A_140 = arith.constant 224 : index
    %get3A_141 = tpu.vector_load %arg5[%get3A_140] {strides = array<i32>} : memref<8192xi32, #tpu.memory_space<vmem>>, vector<16xi32>,
    %get3A_142 = vector.shape_cast %get3A_141 : vector<16xi32> to vector<16xi32>
    %shift_right_logical3A_143 = arith.constant 3 : i32
    %shift_right_logical3A_144 = vector.broadcast %shift_right_logical3A_143 : i32 to vector<16xi32>
    %shift_right_logical3A_145 = arith.shrui %get3A_142, %shift_right_logical3A_144 : vector<16xi32>
    %swap3A_146 = arith.constant 224 : index
    %swap3A_147 = tpu.vector_load %arg5[%swap3A_146] {strides = array<i32>} : memref<8192xi32, #tpu.memory_space<vmem>>, vector<16xi32>,
    %swap3A_148 = vector.shape_cast %swap3A_147 : vector<16xi32> to vector<16xi32>
    %swap3A_149 = vector.shape_cast %shift_right_logical3A_145 : vector<16xi32> to vector<16xi32>
    tpu.vector_store %arg5[%swap3A_146], %swap3A_149 {strides = array<i32>} : memref<8192xi32, #tpu.memory_space<vmem>>, vector<16xi32>,
    %get3A_150 = arith.constant 240 : index
    %get3A_151 = tpu.vector_load %arg5[%get3A_150] {strides = array<i32>} : memref<8192xi32, #tpu.memory_space<vmem>>, vector<16xi32>,
    %get3A_152 = vector.shape_cast %get3A_151 : vector<16xi32> to vector<16xi32>
    %shift_right_logical3A_153 = arith.constant 3 : i32
    %shift_right_logical3A_154 = vector.broadcast %shift_right_logical3A_153 : i32 to vector<16xi32>
    %shift_right_logical3A_155 = arith.shrui %get3A_152, %shift_right_logical3A_154 : vector<16xi32>
    %swap3A_156 = arith.constant 240 : index
    %swap3A_157 = tpu.vector_load %arg5[%swap3A_156] {strides = array<i32>} : memref<8192xi32, #tpu.memory_space<vmem>>, vector<16xi32>,
    %swap3A_158 = vector.shape_cast %swap3A_157 : vector<16xi32> to vector<16xi32>
    %swap3A_159 = vector.shape_cast %shift_right_logical3A_155 : vector<16xi32> to vector<16xi32>
    tpu.vector_store %arg5[%swap3A_156], %swap3A_159 {strides = array<i32>} : memref<8192xi32, #tpu.memory_space<vmem>>, vector<16xi32>,
    %dma_start3A = arith.constant 0 : i32
    %dma_start3A_160 = arith.constant 0 : i32
    %dma_start3A_161 = tpu.memref_slice %arg6[%dma_start3A, %dma_start3A_160] : memref<256x128xf32, #tpu.memory_space<vmem>> -> memref<64x128xf32, #tpu.memory_space<vmem>>
    %dma_start3A_162 = arith.constant 0 : i32
    %dma_start3A_163 = tpu.memref_slice %arg5[%dma_start3A_162] : memref<8192xi32, #tpu.memory_space<vmem>> -> memref<64xi32, #tpu.memory_space<vmem>>
    %dma_start3A_164 = arith.constant 0 : i32
    %dma_start3A_165 = arith.constant 0 : i32
    %dma_start3A_166 = tpu.memref_slice %arg2[%dma_start3A_164, %dma_start3A_165] : memref<65536x128xf32, #tpu.memory_space<hbm>> -> memref<65536x128xf32, #tpu.memory_space<hbm>>
    tpu.enqueue_indirect_dma source(%dma_start3A_166 : memref<65536x128xf32, #tpu.memory_space<hbm>>) target(%dma_start3A_161 : memref<64x128xf32, #tpu.memory_space<vmem>>) offsets(%dma_start3A_163 : memref<64xi32, #tpu.memory_space<vmem>>) semaphore(%arg9 : memref<!tpu.dma_semaphore, #tpu.memory_space<semaphore_mem>>)
    %dma_start3A_167 = arith.constant 64 : i32
    %dma_start3A_168 = arith.constant 0 : i32
    %dma_start3A_169 = tpu.memref_slice %arg6[%dma_start3A_167, %dma_start3A_168] : memref<256x128xf32, #tpu.memory_space<vmem>> -> memref<64x128xf32, #tpu.memory_space<vmem>>
    %dma_start3A_170 = arith.constant 64 : i32
    %dma_start3A_171 = tpu.memref_slice %arg5[%dma_start3A_170] : memref<8192xi32, #tpu.memory_space<vmem>> -> memref<64xi32, #tpu.memory_space<vmem>>
    %dma_start3A_172 = arith.constant 0 : i32
    %dma_start3A_173 = arith.constant 0 : i32
    %dma_start3A_174 = tpu.memref_slice %arg2[%dma_start3A_172, %dma_start3A_173] : memref<65536x128xf32, #tpu.memory_space<hbm>> -> memref<65536x128xf32, #tpu.memory_space<hbm>>
    tpu.enqueue_indirect_dma source(%dma_start3A_174 : memref<65536x128xf32, #tpu.memory_space<hbm>>) target(%dma_start3A_169 : memref<64x128xf32, #tpu.memory_space<vmem>>) offsets(%dma_start3A_171 : memref<64xi32, #tpu.memory_space<vmem>>) semaphore(%arg9 : memref<!tpu.dma_semaphore, #tpu.memory_space<semaphore_mem>>)
    %dma_start3A_175 = arith.constant 128 : i32
    %dma_start3A_176 = arith.constant 0 : i32
    %dma_start3A_177 = tpu.memref_slice %arg6[%dma_start3A_175, %dma_start3A_176] : memref<256x128xf32, #tpu.memory_space<vmem>> -> memref<64x128xf32, #tpu.memory_space<vmem>>
    %dma_start3A_178 = arith.constant 128 : i32
    %dma_start3A_179 = tpu.memref_slice %arg5[%dma_start3A_178] : memref<8192xi32, #tpu.memory_space<vmem>> -> memref<64xi32, #tpu.memory_space<vmem>>
    %dma_start3A_180 = arith.constant 0 : i32
    %dma_start3A_181 = arith.constant 0 : i32
    %dma_start3A_182 = tpu.memref_slice %arg2[%dma_start3A_180, %dma_start3A_181] : memref<65536x128xf32, #tpu.memory_space<hbm>> -> memref<65536x128xf32, #tpu.memory_space<hbm>>
    tpu.enqueue_indirect_dma source(%dma_start3A_182 : memref<65536x128xf32, #tpu.memory_space<hbm>>) target(%dma_start3A_177 : memref<64x128xf32, #tpu.memory_space<vmem>>) offsets(%dma_start3A_179 : memref<64xi32, #tpu.memory_space<vmem>>) semaphore(%arg9 : memref<!tpu.dma_semaphore, #tpu.memory_space<semaphore_mem>>)
    %dma_start3A_183 = arith.constant 192 : i32
    %dma_start3A_184 = arith.constant 0 : i32
    %dma_start3A_185 = tpu.memref_slice %arg6[%dma_start3A_183, %dma_start3A_184] : memref<256x128xf32, #tpu.memory_space<vmem>> -> memref<64x128xf32, #tpu.memory_space<vmem>>
    %dma_start3A_186 = arith.constant 192 : i32
    %dma_start3A_187 = tpu.memref_slice %arg5[%dma_start3A_186] : memref<8192xi32, #tpu.memory_space<vmem>> -> memref<64xi32, #tpu.memory_space<vmem>>
    %dma_start3A_188 = arith.constant 0 : i32
    %dma_start3A_189 = arith.constant 0 : i32
    %dma_start3A_190 = tpu.memref_slice %arg2[%dma_start3A_188, %dma_start3A_189] : memref<65536x128xf32, #tpu.memory_space<hbm>> -> memref<65536x128xf32, #tpu.memory_space<hbm>>
    tpu.enqueue_indirect_dma source(%dma_start3A_190 : memref<65536x128xf32, #tpu.memory_space<hbm>>) target(%dma_start3A_185 : memref<64x128xf32, #tpu.memory_space<vmem>>) offsets(%dma_start3A_187 : memref<64xi32, #tpu.memory_space<vmem>>) semaphore(%arg9 : memref<!tpu.dma_semaphore, #tpu.memory_space<semaphore_mem>>)
    %get3A_191 = arith.constant 256 : index
    %get3A_192 = tpu.vector_load %arg5[%get3A_191] {strides = array<i32>} : memref<8192xi32, #tpu.memory_space<vmem>>, vector<16xi32>,
    %get3A_193 = vector.shape_cast %get3A_192 : vector<16xi32> to vector<16xi32>
    %shift_right_logical3A_194 = arith.constant 3 : i32
    %shift_right_logical3A_195 = vector.broadcast %shift_right_logical3A_194 : i32 to vector<16xi32>
    %shift_right_logical3A_196 = arith.shrui %get3A_193, %shift_right_logical3A_195 : vector<16xi32>
    %swap3A_197 = arith.constant 256 : index
    %swap3A_198 = tpu.vector_load %arg5[%swap3A_197] {strides = array<i32>} : memref<8192xi32, #tpu.memory_space<vmem>>, vector<16xi32>,
    %swap3A_199 = vector.shape_cast %swap3A_198 : vector<16xi32> to vector<16xi32>
    %swap3A_200 = vector.shape_cast %shift_right_logical3A_196 : vector<16xi32> to vector<16xi32>
    tpu.vector_store %arg5[%swap3A_197], %swap3A_200 {strides = array<i32>} : memref<8192xi32, #tpu.memory_space<vmem>>, vector<16xi32>,
    %get3A_201 = arith.constant 272 : index
    %get3A_202 = tpu.vector_load %arg5[%get3A_201] {strides = array<i32>} : memref<8192xi32, #tpu.memory_space<vmem>>, vector<16xi32>,
    %get3A_203 = vector.shape_cast %get3A_202 : vector<16xi32> to vector<16xi32>
    %shift_right_logical3A_204 = arith.constant 3 : i32
    %shift_right_logical3A_205 = vector.broadcast %shift_right_logical3A_204 : i32 to vector<16xi32>
    %shift_right_logical3A_206 = arith.shrui %get3A_203, %shift_right_logical3A_205 : vector<16xi32>
    %swap3A_207 = arith.constant 272 : index
    %swap3A_208 = tpu.vector_load %arg5[%swap3A_207] {strides = array<i32>} : memref<8192xi32, #tpu.memory_space<vmem>>, vector<16xi32>,
    %swap3A_209 = vector.shape_cast %swap3A_208 : vector<16xi32> to vector<16xi32>
    %swap3A_210 = vector.shape_cast %shift_right_logical3A_206 : vector<16xi32> to vector<16xi32>
    tpu.vector_store %arg5[%swap3A_207], %swap3A_210 {strides = array<i32>} : memref<8192xi32, #tpu.memory_space<vmem>>, vector<16xi32>,
    %get3A_211 = arith.constant 288 : index
    %get3A_212 = tpu.vector_load %arg5[%get3A_211] {strides = array<i32>} : memref<8192xi32, #tpu.memory_space<vmem>>, vector<16xi32>,
    %get3A_213 = vector.shape_cast %get3A_212 : vector<16xi32> to vector<16xi32>
    %shift_right_logical3A_214 = arith.constant 3 : i32
    %shift_right_logical3A_215 = vector.broadcast %shift_right_logical3A_214 : i32 to vector<16xi32>
    %shift_right_logical3A_216 = arith.shrui %get3A_213, %shift_right_logical3A_215 : vector<16xi32>
    %swap3A_217 = arith.constant 288 : index
    %swap3A_218 = tpu.vector_load %arg5[%swap3A_217] {strides = array<i32>} : memref<8192xi32, #tpu.memory_space<vmem>>, vector<16xi32>,
    %swap3A_219 = vector.shape_cast %swap3A_218 : vector<16xi32> to vector<16xi32>
    %swap3A_220 = vector.shape_cast %shift_right_logical3A_216 : vector<16xi32> to vector<16xi32>
    tpu.vector_store %arg5[%swap3A_217], %swap3A_220 {strides = array<i32>} : memref<8192xi32, #tpu.memory_space<vmem>>, vector<16xi32>,
    %get3A_221 = arith.constant 304 : index
    %get3A_222 = tpu.vector_load %arg5[%get3A_221] {strides = array<i32>} : memref<8192xi32, #tpu.memory_space<vmem>>, vector<16xi32>,
    %get3A_223 = vector.shape_cast %get3A_222 : vector<16xi32> to vector<16xi32>
    %shift_right_logical3A_224 = arith.constant 3 : i32
    %shift_right_logical3A_225 = vector.broadcast %shift_right_logical3A_224 : i32 to vector<16xi32>
    %shift_right_logical3A_226 = arith.shrui %get3A_223, %shift_right_logical3A_225 : vector<16xi32>
    %swap3A_227 = arith.constant 304 : index
    %swap3A_228 = tpu.vector_load %arg5[%swap3A_227] {strides = array<i32>} : memref<8192xi32, #tpu.memory_space<vmem>>, vector<16xi32>,
    %swap3A_229 = vector.shape_cast %swap3A_228 : vector<16xi32> to vector<16xi32>
    %swap3A_230 = vector.shape_cast %shift_right_logical3A_226 : vector<16xi32> to vector<16xi32>
    tpu.vector_store %arg5[%swap3A_227], %swap3A_230 {strides = array<i32>} : memref<8192xi32, #tpu.memory_space<vmem>>, vector<16xi32>,
    %get3A_231 = arith.constant 320 : index
    %get3A_232 = tpu.vector_load %arg5[%get3A_231] {strides = array<i32>} : memref<8192xi32, #tpu.memory_space<vmem>>, vector<16xi32>,
    %get3A_233 = vector.shape_cast %get3A_232 : vector<16xi32> to vector<16xi32>
    %shift_right_logical3A_234 = arith.constant 3 : i32
    %shift_right_logical3A_235 = vector.broadcast %shift_right_logical3A_234 : i32 to vector<16xi32>
    %shift_right_logical3A_236 = arith.shrui %get3A_233, %shift_right_logical3A_235 : vector<16xi32>
    %swap3A_237 = arith.constant 320 : index
    %swap3A_238 = tpu.vector_load %arg5[%swap3A_237] {strides = array<i32>} : memref<8192xi32, #tpu.memory_space<vmem>>, vector<16xi32>,
    %swap3A_239 = vector.shape_cast %swap3A_238 : vector<16xi32> to vector<16xi32>
    %swap3A_240 = vector.shape_cast %shift_right_logical3A_236 : vector<16xi32> to vector<16xi32>
    tpu.vector_store %arg5[%swap3A_237], %swap3A_240 {strides = array<i32>} : memref<8192xi32, #tpu.memory_space<vmem>>, vector<16xi32>,
    %get3A_241 = arith.constant 336 : index
    %get3A_242 = tpu.vector_load %arg5[%get3A_241] {strides = array<i32>} : memref<8192xi32, #tpu.memory_space<vmem>>, vector<16xi32>,
    %get3A_243 = vector.shape_cast %get3A_242 : vector<16xi32> to vector<16xi32>
    %shift_right_logical3A_244 = arith.constant 3 : i32
    %shift_right_logical3A_245 = vector.broadcast %shift_right_logical3A_244 : i32 to vector<16xi32>
    %shift_right_logical3A_246 = arith.shrui %get3A_243, %shift_right_logical3A_245 : vector<16xi32>
    %swap3A_247 = arith.constant 336 : index
    %swap3A_248 = tpu.vector_load %arg5[%swap3A_247] {strides = array<i32>} : memref<8192xi32, #tpu.memory_space<vmem>>, vector<16xi32>,
    %swap3A_249 = vector.shape_cast %swap3A_248 : vector<16xi32> to vector<16xi32>
    %swap3A_250 = vector.shape_cast %shift_right_logical3A_246 : vector<16xi32> to vector<16xi32>
    tpu.vector_store %arg5[%swap3A_247], %swap3A_250 {strides = array<i32>} : memref<8192xi32, #tpu.memory_space<vmem>>, vector<16xi32>,
    %get3A_251 = arith.constant 352 : index
    %get3A_252 = tpu.vector_load %arg5[%get3A_251] {strides = array<i32>} : memref<8192xi32, #tpu.memory_space<vmem>>, vector<16xi32>,
    %get3A_253 = vector.shape_cast %get3A_252 : vector<16xi32> to vector<16xi32>
    %shift_right_logical3A_254 = arith.constant 3 : i32
    %shift_right_logical3A_255 = vector.broadcast %shift_right_logical3A_254 : i32 to vector<16xi32>
    %shift_right_logical3A_256 = arith.shrui %get3A_253, %shift_right_logical3A_255 : vector<16xi32>
    %swap3A_257 = arith.constant 352 : index
    %swap3A_258 = tpu.vector_load %arg5[%swap3A_257] {strides = array<i32>} : memref<8192xi32, #tpu.memory_space<vmem>>, vector<16xi32>,
    %swap3A_259 = vector.shape_cast %swap3A_258 : vector<16xi32> to vector<16xi32>
    %swap3A_260 = vector.shape_cast %shift_right_logical3A_256 : vector<16xi32> to vector<16xi32>
    tpu.vector_store %arg5[%swap3A_257], %swap3A_260 {strides = array<i32>} : memref<8192xi32, #tpu.memory_space<vmem>>, vector<16xi32>,
    %get3A_261 = arith.constant 368 : index
    %get3A_262 = tpu.vector_load %arg5[%get3A_261] {strides = array<i32>} : memref<8192xi32, #tpu.memory_space<vmem>>, vector<16xi32>,
    %get3A_263 = vector.shape_cast %get3A_262 : vector<16xi32> to vector<16xi32>
    %shift_right_logical3A_264 = arith.constant 3 : i32
    %shift_right_logical3A_265 = vector.broadcast %shift_right_logical3A_264 : i32 to vector<16xi32>
    %shift_right_logical3A_266 = arith.shrui %get3A_263, %shift_right_logical3A_265 : vector<16xi32>
    %swap3A_267 = arith.constant 368 : index
    %swap3A_268 = tpu.vector_load %arg5[%swap3A_267] {strides = array<i32>} : memref<8192xi32, #tpu.memory_space<vmem>>, vector<16xi32>,
    %swap3A_269 = vector.shape_cast %swap3A_268 : vector<16xi32> to vector<16xi32>
    %swap3A_270 = vector.shape_cast %shift_right_logical3A_266 : vector<16xi32> to vector<16xi32>
    tpu.vector_store %arg5[%swap3A_267], %swap3A_270 {strides = array<i32>} : memref<8192xi32, #tpu.memory_space<vmem>>, vector<16xi32>,
    %get3A_271 = arith.constant 384 : index
    %get3A_272 = tpu.vector_load %arg5[%get3A_271] {strides = array<i32>} : memref<8192xi32, #tpu.memory_space<vmem>>, vector<16xi32>,
    %get3A_273 = vector.shape_cast %get3A_272 : vector<16xi32> to vector<16xi32>
    %shift_right_logical3A_274 = arith.constant 3 : i32
    %shift_right_logical3A_275 = vector.broadcast %shift_right_logical3A_274 : i32 to vector<16xi32>
    %shift_right_logical3A_276 = arith.shrui %get3A_273, %shift_right_logical3A_275 : vector<16xi32>
    %swap3A_277 = arith.constant 384 : index
    %swap3A_278 = tpu.vector_load %arg5[%swap3A_277] {strides = array<i32>} : memref<8192xi32, #tpu.memory_space<vmem>>, vector<16xi32>,
    %swap3A_279 = vector.shape_cast %swap3A_278 : vector<16xi32> to vector<16xi32>
    %swap3A_280 = vector.shape_cast %shift_right_logical3A_276 : vector<16xi32> to vector<16xi32>
    tpu.vector_store %arg5[%swap3A_277], %swap3A_280 {strides = array<i32>} : memref<8192xi32, #tpu.memory_space<vmem>>, vector<16xi32>,
    %get3A_281 = arith.constant 400 : index
    %get3A_282 = tpu.vector_load %arg5[%get3A_281] {strides = array<i32>} : memref<8192xi32, #tpu.memory_space<vmem>>, vector<16xi32>,
    %get3A_283 = vector.shape_cast %get3A_282 : vector<16xi32> to vector<16xi32>
    %shift_right_logical3A_284 = arith.constant 3 : i32
    %shift_right_logical3A_285 = vector.broadcast %shift_right_logical3A_284 : i32 to vector<16xi32>
    %shift_right_logical3A_286 = arith.shrui %get3A_283, %shift_right_logical3A_285 : vector<16xi32>
    %swap3A_287 = arith.constant 400 : index
    %swap3A_288 = tpu.vector_load %arg5[%swap3A_287] {strides = array<i32>} : memref<8192xi32, #tpu.memory_space<vmem>>, vector<16xi32>,
    %swap3A_289 = vector.shape_cast %swap3A_288 : vector<16xi32> to vector<16xi32>
    %swap3A_290 = vector.shape_cast %shift_right_logical3A_286 : vector<16xi32> to vector<16xi32>
    tpu.vector_store %arg5[%swap3A_287], %swap3A_290 {strides = array<i32>} : memref<8192xi32, #tpu.memory_space<vmem>>, vector<16xi32>,
    %get3A_291 = arith.constant 416 : index
    %get3A_292 = tpu.vector_load %arg5[%get3A_291] {strides = array<i32>} : memref<8192xi32, #tpu.memory_space<vmem>>, vector<16xi32>,
    %get3A_293 = vector.shape_cast %get3A_292 : vector<16xi32> to vector<16xi32>
    %shift_right_logical3A_294 = arith.constant 3 : i32
    %shift_right_logical3A_295 = vector.broadcast %shift_right_logical3A_294 : i32 to vector<16xi32>
    %shift_right_logical3A_296 = arith.shrui %get3A_293, %shift_right_logical3A_295 : vector<16xi32>
    %swap3A_297 = arith.constant 416 : index
    %swap3A_298 = tpu.vector_load %arg5[%swap3A_297] {strides = array<i32>} : memref<8192xi32, #tpu.memory_space<vmem>>, vector<16xi32>,
    %swap3A_299 = vector.shape_cast %swap3A_298 : vector<16xi32> to vector<16xi32>
    %swap3A_300 = vector.shape_cast %shift_right_logical3A_296 : vector<16xi32> to vector<16xi32>
    tpu.vector_store %arg5[%swap3A_297], %swap3A_300 {strides = array<i32>} : memref<8192xi32, #tpu.memory_space<vmem>>, vector<16xi32>,
    %get3A_301 = arith.constant 432 : index
    %get3A_302 = tpu.vector_load %arg5[%get3A_301] {strides = array<i32>} : memref<8192xi32, #tpu.memory_space<vmem>>, vector<16xi32>,
    %get3A_303 = vector.shape_cast %get3A_302 : vector<16xi32> to vector<16xi32>
    %shift_right_logical3A_304 = arith.constant 3 : i32
    %shift_right_logical3A_305 = vector.broadcast %shift_right_logical3A_304 : i32 to vector<16xi32>
    %shift_right_logical3A_306 = arith.shrui %get3A_303, %shift_right_logical3A_305 : vector<16xi32>
    %swap3A_307 = arith.constant 432 : index
    %swap3A_308 = tpu.vector_load %arg5[%swap3A_307] {strides = array<i32>} : memref<8192xi32, #tpu.memory_space<vmem>>, vector<16xi32>,
    %swap3A_309 = vector.shape_cast %swap3A_308 : vector<16xi32> to vector<16xi32>
    %swap3A_310 = vector.shape_cast %shift_right_logical3A_306 : vector<16xi32> to vector<16xi32>
    tpu.vector_store %arg5[%swap3A_307], %swap3A_310 {strides = array<i32>} : memref<8192xi32, #tpu.memory_space<vmem>>, vector<16xi32>,
    %get3A_311 = arith.constant 448 : index
    %get3A_312 = tpu.vector_load %arg5[%get3A_311] {strides = array<i32>} : memref<8192xi32, #tpu.memory_space<vmem>>, vector<16xi32>,
    %get3A_313 = vector.shape_cast %get3A_312 : vector<16xi32> to vector<16xi32>
    %shift_right_logical3A_314 = arith.constant 3 : i32
    %shift_right_logical3A_315 = vector.broadcast %shift_right_logical3A_314 : i32 to vector<16xi32>
    %shift_right_logical3A_316 = arith.shrui %get3A_313, %shift_right_logical3A_315 : vector<16xi32>
    %swap3A_317 = arith.constant 448 : index
    %swap3A_318 = tpu.vector_load %arg5[%swap3A_317] {strides = array<i32>} : memref<8192xi32, #tpu.memory_space<vmem>>, vector<16xi32>,
    %swap3A_319 = vector.shape_cast %swap3A_318 : vector<16xi32> to vector<16xi32>
    %swap3A_320 = vector.shape_cast %shift_right_logical3A_316 : vector<16xi32> to vector<16xi32>
    tpu.vector_store %arg5[%swap3A_317], %swap3A_320 {strides = array<i32>} : memref<8192xi32, #tpu.memory_space<vmem>>, vector<16xi32>,
    %get3A_321 = arith.constant 464 : index
    %get3A_322 = tpu.vector_load %arg5[%get3A_321] {strides = array<i32>} : memref<8192xi32, #tpu.memory_space<vmem>>, vector<16xi32>,
    %get3A_323 = vector.shape_cast %get3A_322 : vector<16xi32> to vector<16xi32>
    %shift_right_logical3A_324 = arith.constant 3 : i32
    %shift_right_logical3A_325 = vector.broadcast %shift_right_logical3A_324 : i32 to vector<16xi32>
    %shift_right_logical3A_326 = arith.shrui %get3A_323, %shift_right_logical3A_325 : vector<16xi32>
    %swap3A_327 = arith.constant 464 : index
    %swap3A_328 = tpu.vector_load %arg5[%swap3A_327] {strides = array<i32>} : memref<8192xi32, #tpu.memory_space<vmem>>, vector<16xi32>,
    %swap3A_329 = vector.shape_cast %swap3A_328 : vector<16xi32> to vector<16xi32>
    %swap3A_330 = vector.shape_cast %shift_right_logical3A_326 : vector<16xi32> to vector<16xi32>
    tpu.vector_store %arg5[%swap3A_327], %swap3A_330 {strides = array<i32>} : memref<8192xi32, #tpu.memory_space<vmem>>, vector<16xi32>,
    %get3A_331 = arith.constant 480 : index
    %get3A_332 = tpu.vector_load %arg5[%get3A_331] {strides = array<i32>} : memref<8192xi32, #tpu.memory_space<vmem>>, vector<16xi32>,
    %get3A_333 = vector.shape_cast %get3A_332 : vector<16xi32> to vector<16xi32>
    %shift_right_logical3A_334 = arith.constant 3 : i32
    %shift_right_logical3A_335 = vector.broadcast %shift_right_logical3A_334 : i32 to vector<16xi32>
    %shift_right_logical3A_336 = arith.shrui %get3A_333, %shift_right_logical3A_335 : vector<16xi32>
    %swap3A_337 = arith.constant 480 : index
    %swap3A_338 = tpu.vector_load %arg5[%swap3A_337] {strides = array<i32>} : memref<8192xi32, #tpu.memory_space<vmem>>, vector<16xi32>,
    %swap3A_339 = vector.shape_cast %swap3A_338 : vector<16xi32> to vector<16xi32>
    %swap3A_340 = vector.shape_cast %shift_right_logical3A_336 : vector<16xi32> to vector<16xi32>
    tpu.vector_store %arg5[%swap3A_337], %swap3A_340 {strides = array<i32>} : memref<8192xi32, #tpu.memory_space<vmem>>, vector<16xi32>,
    %get3A_341 = arith.constant 496 : index
    %get3A_342 = tpu.vector_load %arg5[%get3A_341] {strides = array<i32>} : memref<8192xi32, #tpu.memory_space<vmem>>, vector<16xi32>,
    %get3A_343 = vector.shape_cast %get3A_342 : vector<16xi32> to vector<16xi32>
    %shift_right_logical3A_344 = arith.constant 3 : i32
    %shift_right_logical3A_345 = vector.broadcast %shift_right_logical3A_344 : i32 to vector<16xi32>
    %shift_right_logical3A_346 = arith.shrui %get3A_343, %shift_right_logical3A_345 : vector<16xi32>
    %swap3A_347 = arith.constant 496 : index
    %swap3A_348 = tpu.vector_load %arg5[%swap3A_347] {strides = array<i32>} : memref<8192xi32, #tpu.memory_space<vmem>>, vector<16xi32>,
    %swap3A_349 = vector.shape_cast %swap3A_348 : vector<16xi32> to vector<16xi32>
    %swap3A_350 = vector.shape_cast %shift_right_logical3A_346 : vector<16xi32> to vector<16xi32>
    tpu.vector_store %arg5[%swap3A_347], %swap3A_350 {strides = array<i32>} : memref<8192xi32, #tpu.memory_space<vmem>>, vector<16xi32>,
    %dma_start3A_351 = arith.constant 0 : i32
    %dma_start3A_352 = arith.constant 0 : i32
    %dma_start3A_353 = tpu.memref_slice %arg7[%dma_start3A_351, %dma_start3A_352] : memref<256x128xf32, #tpu.memory_space<vmem>> -> memref<64x128xf32, #tpu.memory_space<vmem>>
    %dma_start3A_354 = arith.constant 256 : i32
    %dma_start3A_355 = tpu.memref_slice %arg5[%dma_start3A_354] : memref<8192xi32, #tpu.memory_space<vmem>> -> memref<64xi32, #tpu.memory_space<vmem>>
    %dma_start3A_356 = arith.constant 0 : i32
    %dma_start3A_357 = arith.constant 0 : i32
    %dma_start3A_358 = tpu.memref_slice %arg2[%dma_start3A_356, %dma_start3A_357] : memref<65536x128xf32, #tpu.memory_space<hbm>> -> memref<65536x128xf32, #tpu.memory_space<hbm>>
    tpu.enqueue_indirect_dma source(%dma_start3A_358 : memref<65536x128xf32, #tpu.memory_space<hbm>>) target(%dma_start3A_353 : memref<64x128xf32, #tpu.memory_space<vmem>>) offsets(%dma_start3A_355 : memref<64xi32, #tpu.memory_space<vmem>>) semaphore(%arg10 : memref<!tpu.dma_semaphore, #tpu.memory_space<semaphore_mem>>)
    %dma_start3A_359 = arith.constant 64 : i32
    %dma_start3A_360 = arith.constant 0 : i32
    %dma_start3A_361 = tpu.memref_slice %arg7[%dma_start3A_359, %dma_start3A_360] : memref<256x128xf32, #tpu.memory_space<vmem>> -> memref<64x128xf32, #tpu.memory_space<vmem>>
    %dma_start3A_362 = arith.constant 320 : i32
    %dma_start3A_363 = tpu.memref_slice %arg5[%dma_start3A_362] : memref<8192xi32, #tpu.memory_space<vmem>> -> memref<64xi32, #tpu.memory_space<vmem>>
    %dma_start3A_364 = arith.constant 0 : i32
    %dma_start3A_365 = arith.constant 0 : i32
    %dma_start3A_366 = tpu.memref_slice %arg2[%dma_start3A_364, %dma_start3A_365] : memref<65536x128xf32, #tpu.memory_space<hbm>> -> memref<65536x128xf32, #tpu.memory_space<hbm>>
    tpu.enqueue_indirect_dma source(%dma_start3A_366 : memref<65536x128xf32, #tpu.memory_space<hbm>>) target(%dma_start3A_361 : memref<64x128xf32, #tpu.memory_space<vmem>>) offsets(%dma_start3A_363 : memref<64xi32, #tpu.memory_space<vmem>>) semaphore(%arg10 : memref<!tpu.dma_semaphore, #tpu.memory_space<semaphore_mem>>)
    %dma_start3A_367 = arith.constant 128 : i32
    %dma_start3A_368 = arith.constant 0 : i32
    %dma_start3A_369 = tpu.memref_slice %arg7[%dma_start3A_367, %dma_start3A_368] : memref<256x128xf32, #tpu.memory_space<vmem>> -> memref<64x128xf32, #tpu.memory_space<vmem>>
    %dma_start3A_370 = arith.constant 384 : i32
    %dma_start3A_371 = tpu.memref_slice %arg5[%dma_start3A_370] : memref<8192xi32, #tpu.memory_space<vmem>> -> memref<64xi32, #tpu.memory_space<vmem>>
    %dma_start3A_372 = arith.constant 0 : i32
    %dma_start3A_373 = arith.constant 0 : i32
    %dma_start3A_374 = tpu.memref_slice %arg2[%dma_start3A_372, %dma_start3A_373] : memref<65536x128xf32, #tpu.memory_space<hbm>> -> memref<65536x128xf32, #tpu.memory_space<hbm>>
    tpu.enqueue_indirect_dma source(%dma_start3A_374 : memref<65536x128xf32, #tpu.memory_space<hbm>>) target(%dma_start3A_369 : memref<64x128xf32, #tpu.memory_space<vmem>>) offsets(%dma_start3A_371 : memref<64xi32, #tpu.memory_space<vmem>>) semaphore(%arg10 : memref<!tpu.dma_semaphore, #tpu.memory_space<semaphore_mem>>)
    %dma_start3A_375 = arith.constant 192 : i32
    %dma_start3A_376 = arith.constant 0 : i32
    %dma_start3A_377 = tpu.memref_slice %arg7[%dma_start3A_375, %dma_start3A_376] : memref<256x128xf32, #tpu.memory_space<vmem>> -> memref<64x128xf32, #tpu.memory_space<vmem>>
    %dma_start3A_378 = arith.constant 448 : i32
    %dma_start3A_379 = tpu.memref_slice %arg5[%dma_start3A_378] : memref<8192xi32, #tpu.memory_space<vmem>> -> memref<64xi32, #tpu.memory_space<vmem>>
    %dma_start3A_380 = arith.constant 0 : i32
    %dma_start3A_381 = arith.constant 0 : i32
    %dma_start3A_382 = tpu.memref_slice %arg2[%dma_start3A_380, %dma_start3A_381] : memref<65536x128xf32, #tpu.memory_space<hbm>> -> memref<65536x128xf32, #tpu.memory_space<hbm>>
    tpu.enqueue_indirect_dma source(%dma_start3A_382 : memref<65536x128xf32, #tpu.memory_space<hbm>>) target(%dma_start3A_377 : memref<64x128xf32, #tpu.memory_space<vmem>>) offsets(%dma_start3A_379 : memref<64xi32, #tpu.memory_space<vmem>>) semaphore(%arg10 : memref<!tpu.dma_semaphore, #tpu.memory_space<semaphore_mem>>)
    %get3A_383 = arith.constant 512 : index
    %get3A_384 = tpu.vector_load %arg5[%get3A_383] {strides = array<i32>} : memref<8192xi32, #tpu.memory_space<vmem>>, vector<16xi32>,
    %get3A_385 = vector.shape_cast %get3A_384 : vector<16xi32> to vector<16xi32>
    %shift_right_logical3A_386 = arith.constant 3 : i32
    %shift_right_logical3A_387 = vector.broadcast %shift_right_logical3A_386 : i32 to vector<16xi32>
    %shift_right_logical3A_388 = arith.shrui %get3A_385, %shift_right_logical3A_387 : vector<16xi32>
    %swap3A_389 = arith.constant 512 : index
    %swap3A_390 = tpu.vector_load %arg5[%swap3A_389] {strides = array<i32>} : memref<8192xi32, #tpu.memory_space<vmem>>, vector<16xi32>,
    %swap3A_391 = vector.shape_cast %swap3A_390 : vector<16xi32> to vector<16xi32>
    %swap3A_392 = vector.shape_cast %shift_right_logical3A_388 : vector<16xi32> to vector<16xi32>
    tpu.vector_store %arg5[%swap3A_389], %swap3A_392 {strides = array<i32>} : memref<8192xi32, #tpu.memory_space<vmem>>, vector<16xi32>,
    %get3A_393 = arith.constant 528 : index
    %get3A_394 = tpu.vector_load %arg5[%get3A_393] {strides = array<i32>} : memref<8192xi32, #tpu.memory_space<vmem>>, vector<16xi32>,
    %get3A_395 = vector.shape_cast %get3A_394 : vector<16xi32> to vector<16xi32>
    %shift_right_logical3A_396 = arith.constant 3 : i32
    %shift_right_logical3A_397 = vector.broadcast %shift_right_logical3A_396 : i32 to vector<16xi32>
    %shift_right_logical3A_398 = arith.shrui %get3A_395, %shift_right_logical3A_397 : vector<16xi32>
    %swap3A_399 = arith.constant 528 : index
    %swap3A_400 = tpu.vector_load %arg5[%swap3A_399] {strides = array<i32>} : memref<8192xi32, #tpu.memory_space<vmem>>, vector<16xi32>,
    %swap3A_401 = vector.shape_cast %swap3A_400 : vector<16xi32> to vector<16xi32>
    %swap3A_402 = vector.shape_cast %shift_right_logical3A_398 : vector<16xi32> to vector<16xi32>
    tpu.vector_store %arg5[%swap3A_399], %swap3A_402 {strides = array<i32>} : memref<8192xi32, #tpu.memory_space<vmem>>, vector<16xi32>,
    %get3A_403 = arith.constant 544 : index
    %get3A_404 = tpu.vector_load %arg5[%get3A_403] {strides = array<i32>} : memref<8192xi32, #tpu.memory_space<vmem>>, vector<16xi32>,
    %get3A_405 = vector.shape_cast %get3A_404 : vector<16xi32> to vector<16xi32>
    %shift_right_logical3A_406 = arith.constant 3 : i32
    %shift_right_logical3A_407 = vector.broadcast %shift_right_logical3A_406 : i32 to vector<16xi32>
    %shift_right_logical3A_408 = arith.shrui %get3A_405, %shift_right_logical3A_407 : vector<16xi32>
    %swap3A_409 = arith.constant 544 : index
    %swap3A_410 = tpu.vector_load %arg5[%swap3A_409] {strides = array<i32>} : memref<8192xi32, #tpu.memory_space<vmem>>, vector<16xi32>,
    %swap3A_411 = vector.shape_cast %swap3A_410 : vector<16xi32> to vector<16xi32>
    %swap3A_412 = vector.shape_cast %shift_right_logical3A_408 : vector<16xi32> to vector<16xi32>
    tpu.vector_store %arg5[%swap3A_409], %swap3A_412 {strides = array<i32>} : memref<8192xi32, #tpu.memory_space<vmem>>, vector<16xi32>,
    %get3A_413 = arith.constant 560 : index
    %get3A_414 = tpu.vector_load %arg5[%get3A_413] {strides = array<i32>} : memref<8192xi32, #tpu.memory_space<vmem>>, vector<16xi32>,
    %get3A_415 = vector.shape_cast %get3A_414 : vector<16xi32> to vector<16xi32>
    %shift_right_logical3A_416 = arith.constant 3 : i32
    %shift_right_logical3A_417 = vector.broadcast %shift_right_logical3A_416 : i32 to vector<16xi32>
    %shift_right_logical3A_418 = arith.shrui %get3A_415, %shift_right_logical3A_417 : vector<16xi32>
    %swap3A_419 = arith.constant 560 : index
    %swap3A_420 = tpu.vector_load %arg5[%swap3A_419] {strides = array<i32>} : memref<8192xi32, #tpu.memory_space<vmem>>, vector<16xi32>,
    %swap3A_421 = vector.shape_cast %swap3A_420 : vector<16xi32> to vector<16xi32>
    %swap3A_422 = vector.shape_cast %shift_right_logical3A_418 : vector<16xi32> to vector<16xi32>
    tpu.vector_store %arg5[%swap3A_419], %swap3A_422 {strides = array<i32>} : memref<8192xi32, #tpu.memory_space<vmem>>, vector<16xi32>,
    %get3A_423 = arith.constant 576 : index
    %get3A_424 = tpu.vector_load %arg5[%get3A_423] {strides = array<i32>} : memref<8192xi32, #tpu.memory_space<vmem>>, vector<16xi32>,
    %get3A_425 = vector.shape_cast %get3A_424 : vector<16xi32> to vector<16xi32>
    %shift_right_logical3A_426 = arith.constant 3 : i32
    %shift_right_logical3A_427 = vector.broadcast %shift_right_logical3A_426 : i32 to vector<16xi32>
    %shift_right_logical3A_428 = arith.shrui %get3A_425, %shift_right_logical3A_427 : vector<16xi32>
    %swap3A_429 = arith.constant 576 : index
    %swap3A_430 = tpu.vector_load %arg5[%swap3A_429] {strides = array<i32>} : memref<8192xi32, #tpu.memory_space<vmem>>, vector<16xi32>,
    %swap3A_431 = vector.shape_cast %swap3A_430 : vector<16xi32> to vector<16xi32>
    %swap3A_432 = vector.shape_cast %shift_right_logical3A_428 : vector<16xi32> to vector<16xi32>
    tpu.vector_store %arg5[%swap3A_429], %swap3A_432 {strides = array<i32>} : memref<8192xi32, #tpu.memory_space<vmem>>, vector<16xi32>,
    %get3A_433 = arith.constant 592 : index
    %get3A_434 = tpu.vector_load %arg5[%get3A_433] {strides = array<i32>} : memref<8192xi32, #tpu.memory_space<vmem>>, vector<16xi32>,
    %get3A_435 = vector.shape_cast %get3A_434 : vector<16xi32> to vector<16xi32>
    %shift_right_logical3A_436 = arith.constant 3 : i32
    %shift_right_logical3A_437 = vector.broadcast %shift_right_logical3A_436 : i32 to vector<16xi32>
    %shift_right_logical3A_438 = arith.shrui %get3A_435, %shift_right_logical3A_437 : vector<16xi32>
    %swap3A_439 = arith.constant 592 : index
    %swap3A_440 = tpu.vector_load %arg5[%swap3A_439] {strides = array<i32>} : memref<8192xi32, #tpu.memory_space<vmem>>, vector<16xi32>,
    %swap3A_441 = vector.shape_cast %swap3A_440 : vector<16xi32> to vector<16xi32>
    %swap3A_442 = vector.shape_cast %shift_right_logical3A_438 : vector<16xi32> to vector<16xi32>
    tpu.vector_store %arg5[%swap3A_439], %swap3A_442 {strides = array<i32>} : memref<8192xi32, #tpu.memory_space<vmem>>, vector<16xi32>,
    %get3A_443 = arith.constant 608 : index
    %get3A_444 = tpu.vector_load %arg5[%get3A_443] {strides = array<i32>} : memref<8192xi32, #tpu.memory_space<vmem>>, vector<16xi32>,
    %get3A_445 = vector.shape_cast %get3A_444 : vector<16xi32> to vector<16xi32>
    %shift_right_logical3A_446 = arith.constant 3 : i32
    %shift_right_logical3A_447 = vector.broadcast %shift_right_logical3A_446 : i32 to vector<16xi32>
    %shift_right_logical3A_448 = arith.shrui %get3A_445, %shift_right_logical3A_447 : vector<16xi32>
    %swap3A_449 = arith.constant 608 : index
    %swap3A_450 = tpu.vector_load %arg5[%swap3A_449] {strides = array<i32>} : memref<8192xi32, #tpu.memory_space<vmem>>, vector<16xi32>,
    %swap3A_451 = vector.shape_cast %swap3A_450 : vector<16xi32> to vector<16xi32>
    %swap3A_452 = vector.shape_cast %shift_right_logical3A_448 : vector<16xi32> to vector<16xi32>
    tpu.vector_store %arg5[%swap3A_449], %swap3A_452 {strides = array<i32>} : memref<8192xi32, #tpu.memory_space<vmem>>, vector<16xi32>,
    %get3A_453 = arith.constant 624 : index
    %get3A_454 = tpu.vector_load %arg5[%get3A_453] {strides = array<i32>} : memref<8192xi32, #tpu.memory_space<vmem>>, vector<16xi32>,
    %get3A_455 = vector.shape_cast %get3A_454 : vector<16xi32> to vector<16xi32>
    %shift_right_logical3A_456 = arith.constant 3 : i32
    %shift_right_logical3A_457 = vector.broadcast %shift_right_logical3A_456 : i32 to vector<16xi32>
    %shift_right_logical3A_458 = arith.shrui %get3A_455, %shift_right_logical3A_457 : vector<16xi32>
    %swap3A_459 = arith.constant 624 : index
    %swap3A_460 = tpu.vector_load %arg5[%swap3A_459] {strides = array<i32>} : memref<8192xi32, #tpu.memory_space<vmem>>, vector<16xi32>,
    %swap3A_461 = vector.shape_cast %swap3A_460 : vector<16xi32> to vector<16xi32>
    %swap3A_462 = vector.shape_cast %shift_right_logical3A_458 : vector<16xi32> to vector<16xi32>
    tpu.vector_store %arg5[%swap3A_459], %swap3A_462 {strides = array<i32>} : memref<8192xi32, #tpu.memory_space<vmem>>, vector<16xi32>,
    %get3A_463 = arith.constant 640 : index
    %get3A_464 = tpu.vector_load %arg5[%get3A_463] {strides = array<i32>} : memref<8192xi32, #tpu.memory_space<vmem>>, vector<16xi32>,
    %get3A_465 = vector.shape_cast %get3A_464 : vector<16xi32> to vector<16xi32>
    %shift_right_logical3A_466 = arith.constant 3 : i32
    %shift_right_logical3A_467 = vector.broadcast %shift_right_logical3A_466 : i32 to vector<16xi32>
    %shift_right_logical3A_468 = arith.shrui %get3A_465, %shift_right_logical3A_467 : vector<16xi32>
    %swap3A_469 = arith.constant 640 : index
    %swap3A_470 = tpu.vector_load %arg5[%swap3A_469] {strides = array<i32>} : memref<8192xi32, #tpu.memory_space<vmem>>, vector<16xi32>,
    %swap3A_471 = vector.shape_cast %swap3A_470 : vector<16xi32> to vector<16xi32>
    %swap3A_472 = vector.shape_cast %shift_right_logical3A_468 : vector<16xi32> to vector<16xi32>
    tpu.vector_store %arg5[%swap3A_469], %swap3A_472 {strides = array<i32>} : memref<8192xi32, #tpu.memory_space<vmem>>, vector<16xi32>,
    %get3A_473 = arith.constant 656 : index
    %get3A_474 = tpu.vector_load %arg5[%get3A_473] {strides = array<i32>} : memref<8192xi32, #tpu.memory_space<vmem>>, vector<16xi32>,
    %get3A_475 = vector.shape_cast %get3A_474 : vector<16xi32> to vector<16xi32>
    %shift_right_logical3A_476 = arith.constant 3 : i32
    %shift_right_logical3A_477 = vector.broadcast %shift_right_logical3A_476 : i32 to vector<16xi32>
    %shift_right_logical3A_478 = arith.shrui %get3A_475, %shift_right_logical3A_477 : vector<16xi32>
    %swap3A_479 = arith.constant 656 : index
    %swap3A_480 = tpu.vector_load %arg5[%swap3A_479] {strides = array<i32>} : memref<8192xi32, #tpu.memory_space<vmem>>, vector<16xi32>,
    %swap3A_481 = vector.shape_cast %swap3A_480 : vector<16xi32> to vector<16xi32>
    %swap3A_482 = vector.shape_cast %shift_right_logical3A_478 : vector<16xi32> to vector<16xi32>
    tpu.vector_store %arg5[%swap3A_479], %swap3A_482 {strides = array<i32>} : memref<8192xi32, #tpu.memory_space<vmem>>, vector<16xi32>,
    %get3A_483 = arith.constant 672 : index
    %get3A_484 = tpu.vector_load %arg5[%get3A_483] {strides = array<i32>} : memref<8192xi32, #tpu.memory_space<vmem>>, vector<16xi32>,
    %get3A_485 = vector.shape_cast %get3A_484 : vector<16xi32> to vector<16xi32>
    %shift_right_logical3A_486 = arith.constant 3 : i32
    %shift_right_logical3A_487 = vector.broadcast %shift_right_logical3A_486 : i32 to vector<16xi32>
    %shift_right_logical3A_488 = arith.shrui %get3A_485, %shift_right_logical3A_487 : vector<16xi32>
    %swap3A_489 = arith.constant 672 : index
    %swap3A_490 = tpu.vector_load %arg5[%swap3A_489] {strides = array<i32>} : memref<8192xi32, #tpu.memory_space<vmem>>, vector<16xi32>,
    %swap3A_491 = vector.shape_cast %swap3A_490 : vector<16xi32> to vector<16xi32>
    %swap3A_492 = vector.shape_cast %shift_right_logical3A_488 : vector<16xi32> to vector<16xi32>
    tpu.vector_store %arg5[%swap3A_489], %swap3A_492 {strides = array<i32>} : memref<8192xi32, #tpu.memory_space<vmem>>, vector<16xi32>,
    %get3A_493 = arith.constant 688 : index
    %get3A_494 = tpu.vector_load %arg5[%get3A_493] {strides = array<i32>} : memref<8192xi32, #tpu.memory_space<vmem>>, vector<16xi32>,
    %get3A_495 = vector.shape_cast %get3A_494 : vector<16xi32> to vector<16xi32>
    %shift_right_logical3A_496 = arith.constant 3 : i32
    %shift_right_logical3A_497 = vector.broadcast %shift_right_logical3A_496 : i32 to vector<16xi32>
    %shift_right_logical3A_498 = arith.shrui %get3A_495, %shift_right_logical3A_497 : vector<16xi32>
    %swap3A_499 = arith.constant 688 : index
    %swap3A_500 = tpu.vector_load %arg5[%swap3A_499] {strides = array<i32>} : memref<8192xi32, #tpu.memory_space<vmem>>, vector<16xi32>,
    %swap3A_501 = vector.shape_cast %swap3A_500 : vector<16xi32> to vector<16xi32>
    %swap3A_502 = vector.shape_cast %shift_right_logical3A_498 : vector<16xi32> to vector<16xi32>
    tpu.vector_store %arg5[%swap3A_499], %swap3A_502 {strides = array<i32>} : memref<8192xi32, #tpu.memory_space<vmem>>, vector<16xi32>,
    %get3A_503 = arith.constant 704 : index
    %get3A_504 = tpu.vector_load %arg5[%get3A_503] {strides = array<i32>} : memref<8192xi32, #tpu.memory_space<vmem>>, vector<16xi32>,
    %get3A_505 = vector.shape_cast %get3A_504 : vector<16xi32> to vector<16xi32>
    %shift_right_logical3A_506 = arith.constant 3 : i32
    %shift_right_logical3A_507 = vector.broadcast %shift_right_logical3A_506 : i32 to vector<16xi32>
    %shift_right_logical3A_508 = arith.shrui %get3A_505, %shift_right_logical3A_507 : vector<16xi32>
    %swap3A_509 = arith.constant 704 : index
    %swap3A_510 = tpu.vector_load %arg5[%swap3A_509] {strides = array<i32>} : memref<8192xi32, #tpu.memory_space<vmem>>, vector<16xi32>,
    %swap3A_511 = vector.shape_cast %swap3A_510 : vector<16xi32> to vector<16xi32>
    %swap3A_512 = vector.shape_cast %shift_right_logical3A_508 : vector<16xi32> to vector<16xi32>
    tpu.vector_store %arg5[%swap3A_509], %swap3A_512 {strides = array<i32>} : memref<8192xi32, #tpu.memory_space<vmem>>, vector<16xi32>,
    %get3A_513 = arith.constant 720 : index
    %get3A_514 = tpu.vector_load %arg5[%get3A_513] {strides = array<i32>} : memref<8192xi32, #tpu.memory_space<vmem>>, vector<16xi32>,
    %get3A_515 = vector.shape_cast %get3A_514 : vector<16xi32> to vector<16xi32>
    %shift_right_logical3A_516 = arith.constant 3 : i32
    %shift_right_logical3A_517 = vector.broadcast %shift_right_logical3A_516 : i32 to vector<16xi32>
    %shift_right_logical3A_518 = arith.shrui %get3A_515, %shift_right_logical3A_517 : vector<16xi32>
    %swap3A_519 = arith.constant 720 : index
    %swap3A_520 = tpu.vector_load %arg5[%swap3A_519] {strides = array<i32>} : memref<8192xi32, #tpu.memory_space<vmem>>, vector<16xi32>,
    %swap3A_521 = vector.shape_cast %swap3A_520 : vector<16xi32> to vector<16xi32>
    %swap3A_522 = vector.shape_cast %shift_right_logical3A_518 : vector<16xi32> to vector<16xi32>
    tpu.vector_store %arg5[%swap3A_519], %swap3A_522 {strides = array<i32>} : memref<8192xi32, #tpu.memory_space<vmem>>, vector<16xi32>,
    %get3A_523 = arith.constant 736 : index
    %get3A_524 = tpu.vector_load %arg5[%get3A_523] {strides = array<i32>} : memref<8192xi32, #tpu.memory_space<vmem>>, vector<16xi32>,
    %get3A_525 = vector.shape_cast %get3A_524 : vector<16xi32> to vector<16xi32>
    %shift_right_logical3A_526 = arith.constant 3 : i32
    %shift_right_logical3A_527 = vector.broadcast %shift_right_logical3A_526 : i32 to vector<16xi32>
    %shift_right_logical3A_528 = arith.shrui %get3A_525, %shift_right_logical3A_527 : vector<16xi32>
    %swap3A_529 = arith.constant 736 : index
    %swap3A_530 = tpu.vector_load %arg5[%swap3A_529] {strides = array<i32>} : memref<8192xi32, #tpu.memory_space<vmem>>, vector<16xi32>,
    %swap3A_531 = vector.shape_cast %swap3A_530 : vector<16xi32> to vector<16xi32>
    %swap3A_532 = vector.shape_cast %shift_right_logical3A_528 : vector<16xi32> to vector<16xi32>
    tpu.vector_store %arg5[%swap3A_529], %swap3A_532 {strides = array<i32>} : memref<8192xi32, #tpu.memory_space<vmem>>, vector<16xi32>,
    %get3A_533 = arith.constant 752 : index
    %get3A_534 = tpu.vector_load %arg5[%get3A_533] {strides = array<i32>} : memref<8192xi32, #tpu.memory_space<vmem>>, vector<16xi32>,
    %get3A_535 = vector.shape_cast %get3A_534 : vector<16xi32> to vector<16xi32>
    %shift_right_logical3A_536 = arith.constant 3 : i32
    %shift_right_logical3A_537 = vector.broadcast %shift_right_logical3A_536 : i32 to vector<16xi32>
    %shift_right_logical3A_538 = arith.shrui %get3A_535, %shift_right_logical3A_537 : vector<16xi32>
    %swap3A_539 = arith.constant 752 : index
    %swap3A_540 = tpu.vector_load %arg5[%swap3A_539] {strides = array<i32>} : memref<8192xi32, #tpu.memory_space<vmem>>, vector<16xi32>,
    %swap3A_541 = vector.shape_cast %swap3A_540 : vector<16xi32> to vector<16xi32>
    %swap3A_542 = vector.shape_cast %shift_right_logical3A_538 : vector<16xi32> to vector<16xi32>
    tpu.vector_store %arg5[%swap3A_539], %swap3A_542 {strides = array<i32>} : memref<8192xi32, #tpu.memory_space<vmem>>, vector<16xi32>,
    %dma_start3A_543 = arith.constant 0 : i32
    %dma_start3A_544 = arith.constant 0 : i32
    %dma_start3A_545 = tpu.memref_slice %arg8[%dma_start3A_543, %dma_start3A_544] : memref<256x128xf32, #tpu.memory_space<vmem>> -> memref<64x128xf32, #tpu.memory_space<vmem>>
    %dma_start3A_546 = arith.constant 512 : i32
    %dma_start3A_547 = tpu.memref_slice %arg5[%dma_start3A_546] : memref<8192xi32, #tpu.memory_space<vmem>> -> memref<64xi32, #tpu.memory_space<vmem>>
    %dma_start3A_548 = arith.constant 0 : i32
    %dma_start3A_549 = arith.constant 0 : i32
    %dma_start3A_550 = tpu.memref_slice %arg2[%dma_start3A_548, %dma_start3A_549] : memref<65536x128xf32, #tpu.memory_space<hbm>> -> memref<65536x128xf32, #tpu.memory_space<hbm>>
    tpu.enqueue_indirect_dma source(%dma_start3A_550 : memref<65536x128xf32, #tpu.memory_space<hbm>>) target(%dma_start3A_545 : memref<64x128xf32, #tpu.memory_space<vmem>>) offsets(%dma_start3A_547 : memref<64xi32, #tpu.memory_space<vmem>>) semaphore(%arg11 : memref<!tpu.dma_semaphore, #tpu.memory_space<semaphore_mem>>)
    %dma_start3A_551 = arith.constant 64 : i32
    %dma_start3A_552 = arith.constant 0 : i32
    %dma_start3A_553 = tpu.memref_slice %arg8[%dma_start3A_551, %dma_start3A_552] : memref<256x128xf32, #tpu.memory_space<vmem>> -> memref<64x128xf32, #tpu.memory_space<vmem>>
    %dma_start3A_554 = arith.constant 576 : i32
    %dma_start3A_555 = tpu.memref_slice %arg5[%dma_start3A_554] : memref<8192xi32, #tpu.memory_space<vmem>> -> memref<64xi32, #tpu.memory_space<vmem>>
    %dma_start3A_556 = arith.constant 0 : i32
    %dma_start3A_557 = arith.constant 0 : i32
    %dma_start3A_558 = tpu.memref_slice %arg2[%dma_start3A_556, %dma_start3A_557] : memref<65536x128xf32, #tpu.memory_space<hbm>> -> memref<65536x128xf32, #tpu.memory_space<hbm>>
    tpu.enqueue_indirect_dma source(%dma_start3A_558 : memref<65536x128xf32, #tpu.memory_space<hbm>>) target(%dma_start3A_553 : memref<64x128xf32, #tpu.memory_space<vmem>>) offsets(%dma_start3A_555 : memref<64xi32, #tpu.memory_space<vmem>>) semaphore(%arg11 : memref<!tpu.dma_semaphore, #tpu.memory_space<semaphore_mem>>)
    %dma_start3A_559 = arith.constant 128 : i32
    %dma_start3A_560 = arith.constant 0 : i32
    %dma_start3A_561 = tpu.memref_slice %arg8[%dma_start3A_559, %dma_start3A_560] : memref<256x128xf32, #tpu.memory_space<vmem>> -> memref<64x128xf32, #tpu.memory_space<vmem>>
    %dma_start3A_562 = arith.constant 640 : i32
    %dma_start3A_563 = tpu.memref_slice %arg5[%dma_start3A_562] : memref<8192xi32, #tpu.memory_space<vmem>> -> memref<64xi32, #tpu.memory_space<vmem>>
    %dma_start3A_564 = arith.constant 0 : i32
    %dma_start3A_565 = arith.constant 0 : i32
    %dma_start3A_566 = tpu.memref_slice %arg2[%dma_start3A_564, %dma_start3A_565] : memref<65536x128xf32, #tpu.memory_space<hbm>> -> memref<65536x128xf32, #tpu.memory_space<hbm>>
    tpu.enqueue_indirect_dma source(%dma_start3A_566 : memref<65536x128xf32, #tpu.memory_space<hbm>>) target(%dma_start3A_561 : memref<64x128xf32, #tpu.memory_space<vmem>>) offsets(%dma_start3A_563 : memref<64xi32, #tpu.memory_space<vmem>>) semaphore(%arg11 : memref<!tpu.dma_semaphore, #tpu.memory_space<semaphore_mem>>)
    %dma_start3A_567 = arith.constant 192 : i32
    %dma_start3A_568 = arith.constant 0 : i32
    %dma_start3A_569 = tpu.memref_slice %arg8[%dma_start3A_567, %dma_start3A_568] : memref<256x128xf32, #tpu.memory_space<vmem>> -> memref<64x128xf32, #tpu.memory_space<vmem>>
    %dma_start3A_570 = arith.constant 704 : i32
    %dma_start3A_571 = tpu.memref_slice %arg5[%dma_start3A_570] : memref<8192xi32, #tpu.memory_space<vmem>> -> memref<64xi32, #tpu.memory_space<vmem>>
    %dma_start3A_572 = arith.constant 0 : i32
    %dma_start3A_573 = arith.constant 0 : i32
    %dma_start3A_574 = tpu.memref_slice %arg2[%dma_start3A_572, %dma_start3A_573] : memref<65536x128xf32, #tpu.memory_space<hbm>> -> memref<65536x128xf32, #tpu.memory_space<hbm>>
    tpu.enqueue_indirect_dma source(%dma_start3A_574 : memref<65536x128xf32, #tpu.memory_space<hbm>>) target(%dma_start3A_569 : memref<64x128xf32, #tpu.memory_space<vmem>>) offsets(%dma_start3A_571 : memref<64xi32, #tpu.memory_space<vmem>>) semaphore(%arg11 : memref<!tpu.dma_semaphore, #tpu.memory_space<semaphore_mem>>)
    %scan3A = arith.constant 0 : i32
    %scan3A_575 = arith.constant 0 : i32
    %scan3A_576 = arith.constant 10 : i32
    %scan3A_577 = arith.addi %scan3A_575, %scan3A_576 : i32
    %scan3A_578 = arith.constant 1 : i32
    scf.for %scan3A_647 = %scan3A_575 to %scan3A_577 step %scan3A_578  : i32 {
      %mul3A_648 = arith.constant 3 : i32
      %mul3A_649 = arith.muli %scan3A_647, %mul3A_648 : i32
      %add3A_650 = arith.constant 0 : i32
      %add3A_651 = arith.addi %mul3A_649, %add3A_650 : i32
      %mul3A_652 = arith.constant 256 : i32
      %mul3A_653 = arith.muli %add3A_651, %mul3A_652 : i32
      %add3A_654 = arith.constant 0 : i32
      %add3A_655 = arith.addi %mul3A_653, %add3A_654 : i32
      %dma_wait3A_656 = arith.constant 0 : i32
      %dma_wait3A_657 = arith.constant 0 : i32
      %dma_wait3A_658 = tpu.memref_slice %arg6[%dma_wait3A_656, %dma_wait3A_657] : memref<256x128xf32, #tpu.memory_space<vmem>> -> memref<64x128xf32, #tpu.memory_space<vmem>>
      %dma_wait3A_659 = tpu.memref_slice %arg5[%add3A_655] : memref<8192xi32, #tpu.memory_space<vmem>> -> memref<64xi32, #tpu.memory_space<vmem>>
      %dma_wait3A_660 = arith.constant 0 : i32
      %dma_wait3A_661 = arith.constant 0 : i32
      %dma_wait3A_662 = tpu.memref_slice %arg2[%dma_wait3A_660, %dma_wait3A_661] : memref<65536x128xf32, #tpu.memory_space<hbm>> -> memref<65536x128xf32, #tpu.memory_space<hbm>>
      tpu.wait_indirect_dma semaphore(%arg9 : memref<!tpu.dma_semaphore, #tpu.memory_space<semaphore_mem>>) src(%dma_wait3A_662 : memref<65536x128xf32, #tpu.memory_space<hbm>>) dst(%dma_wait3A_658 : memref<64x128xf32, #tpu.memory_space<vmem>>)
      %mul3A_663 = arith.constant 256 : i32
      %mul3A_664 = arith.muli %add3A_651, %mul3A_663 : i32
      %add3A_665 = arith.constant 64 : i32
      %add3A_666 = arith.addi %mul3A_664, %add3A_665 : i32
      %dma_wait3A_667 = arith.constant 64 : i32
      %dma_wait3A_668 = arith.constant 0 : i32
      %dma_wait3A_669 = tpu.memref_slice %arg6[%dma_wait3A_667, %dma_wait3A_668] : memref<256x128xf32, #tpu.memory_space<vmem>> -> memref<64x128xf32, #tpu.memory_space<vmem>>
      %dma_wait3A_670 = tpu.memref_slice %arg5[%add3A_666] : memref<8192xi32, #tpu.memory_space<vmem>> -> memref<64xi32, #tpu.memory_space<vmem>>
      %dma_wait3A_671 = arith.constant 0 : i32
      %dma_wait3A_672 = arith.constant 0 : i32
      %dma_wait3A_673 = tpu.memref_slice %arg2[%dma_wait3A_671, %dma_wait3A_672] : memref<65536x128xf32, #tpu.memory_space<hbm>> -> memref<65536x128xf32, #tpu.memory_space<hbm>>
      tpu.wait_indirect_dma semaphore(%arg9 : memref<!tpu.dma_semaphore, #tpu.memory_space<semaphore_mem>>) src(%dma_wait3A_673 : memref<65536x128xf32, #tpu.memory_space<hbm>>) dst(%dma_wait3A_669 : memref<64x128xf32, #tpu.memory_space<vmem>>)
      %mul3A_674 = arith.constant 256 : i32
      %mul3A_675 = arith.muli %add3A_651, %mul3A_674 : i32
      %add3A_676 = arith.constant 128 : i32
      %add3A_677 = arith.addi %mul3A_675, %add3A_676 : i32
      %dma_wait3A_678 = arith.constant 128 : i32
      %dma_wait3A_679 = arith.constant 0 : i32
      %dma_wait3A_680 = tpu.memref_slice %arg6[%dma_wait3A_678, %dma_wait3A_679] : memref<256x128xf32, #tpu.memory_space<vmem>> -> memref<64x128xf32, #tpu.memory_space<vmem>>
      %dma_wait3A_681 = tpu.memref_slice %arg5[%add3A_677] : memref<8192xi32, #tpu.memory_space<vmem>> -> memref<64xi32, #tpu.memory_space<vmem>>
      %dma_wait3A_682 = arith.constant 0 : i32
      %dma_wait3A_683 = arith.constant 0 : i32
      %dma_wait3A_684 = tpu.memref_slice %arg2[%dma_wait3A_682, %dma_wait3A_683] : memref<65536x128xf32, #tpu.memory_space<hbm>> -> memref<65536x128xf32, #tpu.memory_space<hbm>>
      tpu.wait_indirect_dma semaphore(%arg9 : memref<!tpu.dma_semaphore, #tpu.memory_space<semaphore_mem>>) src(%dma_wait3A_684 : memref<65536x128xf32, #tpu.memory_space<hbm>>) dst(%dma_wait3A_680 : memref<64x128xf32, #tpu.memory_space<vmem>>)
      %mul3A_685 = arith.constant 256 : i32
      %mul3A_686 = arith.muli %add3A_651, %mul3A_685 : i32
      %add3A_687 = arith.constant 192 : i32
      %add3A_688 = arith.addi %mul3A_686, %add3A_687 : i32
      %dma_wait3A_689 = arith.constant 192 : i32
      %dma_wait3A_690 = arith.constant 0 : i32
      %dma_wait3A_691 = tpu.memref_slice %arg6[%dma_wait3A_689, %dma_wait3A_690] : memref<256x128xf32, #tpu.memory_space<vmem>> -> memref<64x128xf32, #tpu.memory_space<vmem>>
      %dma_wait3A_692 = tpu.memref_slice %arg5[%add3A_688] : memref<8192xi32, #tpu.memory_space<vmem>> -> memref<64xi32, #tpu.memory_space<vmem>>
      %dma_wait3A_693 = arith.constant 0 : i32
      %dma_wait3A_694 = arith.constant 0 : i32
      %dma_wait3A_695 = tpu.memref_slice %arg2[%dma_wait3A_693, %dma_wait3A_694] : memref<65536x128xf32, #tpu.memory_space<hbm>> -> memref<65536x128xf32, #tpu.memory_space<hbm>>
      tpu.wait_indirect_dma semaphore(%arg9 : memref<!tpu.dma_semaphore, #tpu.memory_space<semaphore_mem>>) src(%dma_wait3A_695 : memref<65536x128xf32, #tpu.memory_space<hbm>>) dst(%dma_wait3A_691 : memref<64x128xf32, #tpu.memory_space<vmem>>)
      %mul3A_696 = arith.constant 256 : i32
      %mul3A_697 = arith.muli %add3A_651, %mul3A_696 : i32
      %add3A_698 = arith.addi %mul3A_2, %mul3A_697 : i32
      "tpu.region"() ({
        %run_scoped3A = tpu.sem_alloc : memref<!tpu.dma_semaphore, #tpu.memory_space<semaphore_mem>>
        %dma_start3A_819 = arith.constant 0 : i32
        %dma_start3A_820 = tpu.memref_slice %arg4[%add3A_698, %dma_start3A_819] : memref<262144x128xf32, #tpu.memory_space<hbm>> -> memref<256x128xf32, #tpu.memory_space<hbm>>
        %dma_start3A_821 = arith.constant 0 : i32
        %dma_start3A_822 = tpu.memref_slice %arg4[%add3A_698, %dma_start3A_821] : memref<262144x128xf32, #tpu.memory_space<hbm>> -> memref<256x128xf32, #tpu.memory_space<hbm>>
        tpu.enqueue_dma source(%arg6 : memref<256x128xf32, #tpu.memory_space<vmem>>) target(%dma_start3A_822 : memref<256x128xf32, #tpu.memory_space<hbm>>) target_semaphore(%run_scoped3A : memref<!tpu.dma_semaphore, #tpu.memory_space<semaphore_mem>>)
        %dma_wait3A_823 = arith.constant 0 : i32
        %dma_wait3A_824 = tpu.memref_slice %arg4[%add3A_698, %dma_wait3A_823] : memref<262144x128xf32, #tpu.memory_space<hbm>> -> memref<256x128xf32, #tpu.memory_space<hbm>>
        %dma_wait3A_825 = arith.constant 0 : i32
        %dma_wait3A_826 = tpu.memref_slice %arg4[%add3A_698, %dma_wait3A_825] : memref<262144x128xf32, #tpu.memory_space<hbm>> -> memref<256x128xf32, #tpu.memory_space<hbm>>
        tpu.wait_dma2 semaphore(%run_scoped3A : memref<!tpu.dma_semaphore, #tpu.memory_space<semaphore_mem>>) src(%arg6 : memref<256x128xf32, #tpu.memory_space<vmem>>) dst(%dma_wait3A_826 : memref<256x128xf32, #tpu.memory_space<hbm>>)
        tpu.yield
      }) : () -> ()
      %add3A_699 = arith.constant 3 : i32
      %add3A_700 = arith.addi %add3A_651, %add3A_699 : i32
      %lt3A = arith.constant 32 : i32
      %lt3A_701 = arith.cmpi slt, %add3A_700, %lt3A : i32
      %convert_element_type3A = arith.extui %lt3A_701 : i1 to i32
      %cond3A = arith.constant 0 : i32
      %cond3A_702 = arith.cmpi ne, %convert_element_type3A, %cond3A : i32
      scf.if %cond3A_702 {
        %add3A_819 = arith.constant 3 : i32
        %add3A_820 = arith.addi %add3A_651, %add3A_819 : i32
        %mul3A_821 = arith.constant 256 : i32
        %mul3A_822 = arith.muli %add3A_820, %mul3A_821 : i32
        %add3A_823 = arith.constant 0 : i32
        %add3A_824 = arith.addi %mul3A_822, %add3A_823 : i32
        %get3A_825 = arith.index_cast %add3A_824 : i32 to index
        %get3A_826 = tpu.vector_load %arg5[%get3A_825] {strides = array<i32>} : memref<8192xi32, #tpu.memory_space<vmem>>, vector<16xi32>,
        %get3A_827 = vector.shape_cast %get3A_826 : vector<16xi32> to vector<16xi32>
        %shift_right_logical3A_828 = arith.constant 3 : i32
        %shift_right_logical3A_829 = vector.broadcast %shift_right_logical3A_828 : i32 to vector<16xi32>
        %shift_right_logical3A_830 = arith.shrui %get3A_827, %shift_right_logical3A_829 : vector<16xi32>
        %swap3A_831 = arith.index_cast %add3A_824 : i32 to index
        %swap3A_832 = tpu.vector_load %arg5[%swap3A_831] {strides = array<i32>} : memref<8192xi32, #tpu.memory_space<vmem>>, vector<16xi32>,
        %swap3A_833 = vector.shape_cast %swap3A_832 : vector<16xi32> to vector<16xi32>
        %swap3A_834 = vector.shape_cast %shift_right_logical3A_830 : vector<16xi32> to vector<16xi32>
        tpu.vector_store %arg5[%swap3A_831], %swap3A_834 {strides = array<i32>} : memref<8192xi32, #tpu.memory_space<vmem>>, vector<16xi32>,
        %mul3A_835 = arith.constant 256 : i32
        %mul3A_836 = arith.muli %add3A_820, %mul3A_835 : i32
        %add3A_837 = arith.constant 16 : i32
        %add3A_838 = arith.addi %mul3A_836, %add3A_837 : i32
        %get3A_839 = arith.index_cast %add3A_838 : i32 to index
        %get3A_840 = tpu.vector_load %arg5[%get3A_839] {strides = array<i32>} : memref<8192xi32, #tpu.memory_space<vmem>>, vector<16xi32>,
        %get3A_841 = vector.shape_cast %get3A_840 : vector<16xi32> to vector<16xi32>
        %shift_right_logical3A_842 = arith.constant 3 : i32
        %shift_right_logical3A_843 = vector.broadcast %shift_right_logical3A_842 : i32 to vector<16xi32>
        %shift_right_logical3A_844 = arith.shrui %get3A_841, %shift_right_logical3A_843 : vector<16xi32>
        %swap3A_845 = arith.index_cast %add3A_838 : i32 to index
        %swap3A_846 = tpu.vector_load %arg5[%swap3A_845] {strides = array<i32>} : memref<8192xi32, #tpu.memory_space<vmem>>, vector<16xi32>,
        %swap3A_847 = vector.shape_cast %swap3A_846 : vector<16xi32> to vector<16xi32>
        %swap3A_848 = vector.shape_cast %shift_right_logical3A_844 : vector<16xi32> to vector<16xi32>
        tpu.vector_store %arg5[%swap3A_845], %swap3A_848 {strides = array<i32>} : memref<8192xi32, #tpu.memory_space<vmem>>, vector<16xi32>,
        %mul3A_849 = arith.constant 256 : i32
        %mul3A_850 = arith.muli %add3A_820, %mul3A_849 : i32
        %add3A_851 = arith.constant 32 : i32
        %add3A_852 = arith.addi %mul3A_850, %add3A_851 : i32
        %get3A_853 = arith.index_cast %add3A_852 : i32 to index
        %get3A_854 = tpu.vector_load %arg5[%get3A_853] {strides = array<i32>} : memref<8192xi32, #tpu.memory_space<vmem>>, vector<16xi32>,
        %get3A_855 = vector.shape_cast %get3A_854 : vector<16xi32> to vector<16xi32>
        %shift_right_logical3A_856 = arith.constant 3 : i32
        %shift_right_logical3A_857 = vector.broadcast %shift_right_logical3A_856 : i32 to vector<16xi32>
        %shift_right_logical3A_858 = arith.shrui %get3A_855, %shift_right_logical3A_857 : vector<16xi32>
        %swap3A_859 = arith.index_cast %add3A_852 : i32 to index
        %swap3A_860 = tpu.vector_load %arg5[%swap3A_859] {strides = array<i32>} : memref<8192xi32, #tpu.memory_space<vmem>>, vector<16xi32>,
        %swap3A_861 = vector.shape_cast %swap3A_860 : vector<16xi32> to vector<16xi32>
        %swap3A_862 = vector.shape_cast %shift_right_logical3A_858 : vector<16xi32> to vector<16xi32>
        tpu.vector_store %arg5[%swap3A_859], %swap3A_862 {strides = array<i32>} : memref<8192xi32, #tpu.memory_space<vmem>>, vector<16xi32>,
        %mul3A_863 = arith.constant 256 : i32
        %mul3A_864 = arith.muli %add3A_820, %mul3A_863 : i32
        %add3A_865 = arith.constant 48 : i32
        %add3A_866 = arith.addi %mul3A_864, %add3A_865 : i32
        %get3A_867 = arith.index_cast %add3A_866 : i32 to index
        %get3A_868 = tpu.vector_load %arg5[%get3A_867] {strides = array<i32>} : memref<8192xi32, #tpu.memory_space<vmem>>, vector<16xi32>,
        %get3A_869 = vector.shape_cast %get3A_868 : vector<16xi32> to vector<16xi32>
        %shift_right_logical3A_870 = arith.constant 3 : i32
        %shift_right_logical3A_871 = vector.broadcast %shift_right_logical3A_870 : i32 to vector<16xi32>
        %shift_right_logical3A_872 = arith.shrui %get3A_869, %shift_right_logical3A_871 : vector<16xi32>
        %swap3A_873 = arith.index_cast %add3A_866 : i32 to index
        %swap3A_874 = tpu.vector_load %arg5[%swap3A_873] {strides = array<i32>} : memref<8192xi32, #tpu.memory_space<vmem>>, vector<16xi32>,
        %swap3A_875 = vector.shape_cast %swap3A_874 : vector<16xi32> to vector<16xi32>
        %swap3A_876 = vector.shape_cast %shift_right_logical3A_872 : vector<16xi32> to vector<16xi32>
        tpu.vector_store %arg5[%swap3A_873], %swap3A_876 {strides = array<i32>} : memref<8192xi32, #tpu.memory_space<vmem>>, vector<16xi32>,
        %mul3A_877 = arith.constant 256 : i32
        %mul3A_878 = arith.muli %add3A_820, %mul3A_877 : i32
        %add3A_879 = arith.constant 64 : i32
        %add3A_880 = arith.addi %mul3A_878, %add3A_879 : i32
        %get3A_881 = arith.index_cast %add3A_880 : i32 to index
        %get3A_882 = tpu.vector_load %arg5[%get3A_881] {strides = array<i32>} : memref<8192xi32, #tpu.memory_space<vmem>>, vector<16xi32>,
        %get3A_883 = vector.shape_cast %get3A_882 : vector<16xi32> to vector<16xi32>
        %shift_right_logical3A_884 = arith.constant 3 : i32
        %shift_right_logical3A_885 = vector.broadcast %shift_right_logical3A_884 : i32 to vector<16xi32>
        %shift_right_logical3A_886 = arith.shrui %get3A_883, %shift_right_logical3A_885 : vector<16xi32>
        %swap3A_887 = arith.index_cast %add3A_880 : i32 to index
        %swap3A_888 = tpu.vector_load %arg5[%swap3A_887] {strides = array<i32>} : memref<8192xi32, #tpu.memory_space<vmem>>, vector<16xi32>,
        %swap3A_889 = vector.shape_cast %swap3A_888 : vector<16xi32> to vector<16xi32>
        %swap3A_890 = vector.shape_cast %shift_right_logical3A_886 : vector<16xi32> to vector<16xi32>
        tpu.vector_store %arg5[%swap3A_887], %swap3A_890 {strides = array<i32>} : memref<8192xi32, #tpu.memory_space<vmem>>, vector<16xi32>,
        %mul3A_891 = arith.constant 256 : i32
        %mul3A_892 = arith.muli %add3A_820, %mul3A_891 : i32
        %add3A_893 = arith.constant 80 : i32
        %add3A_894 = arith.addi %mul3A_892, %add3A_893 : i32
        %get3A_895 = arith.index_cast %add3A_894 : i32 to index
        %get3A_896 = tpu.vector_load %arg5[%get3A_895] {strides = array<i32>} : memref<8192xi32, #tpu.memory_space<vmem>>, vector<16xi32>,
        %get3A_897 = vector.shape_cast %get3A_896 : vector<16xi32> to vector<16xi32>
        %shift_right_logical3A_898 = arith.constant 3 : i32
        %shift_right_logical3A_899 = vector.broadcast %shift_right_logical3A_898 : i32 to vector<16xi32>
        %shift_right_logical3A_900 = arith.shrui %get3A_897, %shift_right_logical3A_899 : vector<16xi32>
        %swap3A_901 = arith.index_cast %add3A_894 : i32 to index
        %swap3A_902 = tpu.vector_load %arg5[%swap3A_901] {strides = array<i32>} : memref<8192xi32, #tpu.memory_space<vmem>>, vector<16xi32>,
        %swap3A_903 = vector.shape_cast %swap3A_902 : vector<16xi32> to vector<16xi32>
        %swap3A_904 = vector.shape_cast %shift_right_logical3A_900 : vector<16xi32> to vector<16xi32>
        tpu.vector_store %arg5[%swap3A_901], %swap3A_904 {strides = array<i32>} : memref<8192xi32, #tpu.memory_space<vmem>>, vector<16xi32>,
        %mul3A_905 = arith.constant 256 : i32
        %mul3A_906 = arith.muli %add3A_820, %mul3A_905 : i32
        %add3A_907 = arith.constant 96 : i32
        %add3A_908 = arith.addi %mul3A_906, %add3A_907 : i32
        %get3A_909 = arith.index_cast %add3A_908 : i32 to index
        %get3A_910 = tpu.vector_load %arg5[%get3A_909] {strides = array<i32>} : memref<8192xi32, #tpu.memory_space<vmem>>, vector<16xi32>,
        %get3A_911 = vector.shape_cast %get3A_910 : vector<16xi32> to vector<16xi32>
        %shift_right_logical3A_912 = arith.constant 3 : i32
        %shift_right_logical3A_913 = vector.broadcast %shift_right_logical3A_912 : i32 to vector<16xi32>
        %shift_right_logical3A_914 = arith.shrui %get3A_911, %shift_right_logical3A_913 : vector<16xi32>
        %swap3A_915 = arith.index_cast %add3A_908 : i32 to index
        %swap3A_916 = tpu.vector_load %arg5[%swap3A_915] {strides = array<i32>} : memref<8192xi32, #tpu.memory_space<vmem>>, vector<16xi32>,
        %swap3A_917 = vector.shape_cast %swap3A_916 : vector<16xi32> to vector<16xi32>
        %swap3A_918 = vector.shape_cast %shift_right_logical3A_914 : vector<16xi32> to vector<16xi32>
        tpu.vector_store %arg5[%swap3A_915], %swap3A_918 {strides = array<i32>} : memref<8192xi32, #tpu.memory_space<vmem>>, vector<16xi32>,
        %mul3A_919 = arith.constant 256 : i32
        %mul3A_920 = arith.muli %add3A_820, %mul3A_919 : i32
        %add3A_921 = arith.constant 112 : i32
        %add3A_922 = arith.addi %mul3A_920, %add3A_921 : i32
        %get3A_923 = arith.index_cast %add3A_922 : i32 to index
        %get3A_924 = tpu.vector_load %arg5[%get3A_923] {strides = array<i32>} : memref<8192xi32, #tpu.memory_space<vmem>>, vector<16xi32>,
        %get3A_925 = vector.shape_cast %get3A_924 : vector<16xi32> to vector<16xi32>
        %shift_right_logical3A_926 = arith.constant 3 : i32
        %shift_right_logical3A_927 = vector.broadcast %shift_right_logical3A_926 : i32 to vector<16xi32>
        %shift_right_logical3A_928 = arith.shrui %get3A_925, %shift_right_logical3A_927 : vector<16xi32>
        %swap3A_929 = arith.index_cast %add3A_922 : i32 to index
        %swap3A_930 = tpu.vector_load %arg5[%swap3A_929] {strides = array<i32>} : memref<8192xi32, #tpu.memory_space<vmem>>, vector<16xi32>,
        %swap3A_931 = vector.shape_cast %swap3A_930 : vector<16xi32> to vector<16xi32>
        %swap3A_932 = vector.shape_cast %shift_right_logical3A_928 : vector<16xi32> to vector<16xi32>
        tpu.vector_store %arg5[%swap3A_929], %swap3A_932 {strides = array<i32>} : memref<8192xi32, #tpu.memory_space<vmem>>, vector<16xi32>,
        %mul3A_933 = arith.constant 256 : i32
        %mul3A_934 = arith.muli %add3A_820, %mul3A_933 : i32
        %add3A_935 = arith.constant 128 : i32
        %add3A_936 = arith.addi %mul3A_934, %add3A_935 : i32
        %get3A_937 = arith.index_cast %add3A_936 : i32 to index
        %get3A_938 = tpu.vector_load %arg5[%get3A_937] {strides = array<i32>} : memref<8192xi32, #tpu.memory_space<vmem>>, vector<16xi32>,
        %get3A_939 = vector.shape_cast %get3A_938 : vector<16xi32> to vector<16xi32>
        %shift_right_logical3A_940 = arith.constant 3 : i32
        %shift_right_logical3A_941 = vector.broadcast %shift_right_logical3A_940 : i32 to vector<16xi32>
        %shift_right_logical3A_942 = arith.shrui %get3A_939, %shift_right_logical3A_941 : vector<16xi32>
        %swap3A_943 = arith.index_cast %add3A_936 : i32 to index
        %swap3A_944 = tpu.vector_load %arg5[%swap3A_943] {strides = array<i32>} : memref<8192xi32, #tpu.memory_space<vmem>>, vector<16xi32>,
        %swap3A_945 = vector.shape_cast %swap3A_944 : vector<16xi32> to vector<16xi32>
        %swap3A_946 = vector.shape_cast %shift_right_logical3A_942 : vector<16xi32> to vector<16xi32>
        tpu.vector_store %arg5[%swap3A_943], %swap3A_946 {strides = array<i32>} : memref<8192xi32, #tpu.memory_space<vmem>>, vector<16xi32>,
        %mul3A_947 = arith.constant 256 : i32
        %mul3A_948 = arith.muli %add3A_820, %mul3A_947 : i32
        %add3A_949 = arith.constant 144 : i32
        %add3A_950 = arith.addi %mul3A_948, %add3A_949 : i32
        %get3A_951 = arith.index_cast %add3A_950 : i32 to index
        %get3A_952 = tpu.vector_load %arg5[%get3A_951] {strides = array<i32>} : memref<8192xi32, #tpu.memory_space<vmem>>, vector<16xi32>,
        %get3A_953 = vector.shape_cast %get3A_952 : vector<16xi32> to vector<16xi32>
        %shift_right_logical3A_954 = arith.constant 3 : i32
        %shift_right_logical3A_955 = vector.broadcast %shift_right_logical3A_954 : i32 to vector<16xi32>
        %shift_right_logical3A_956 = arith.shrui %get3A_953, %shift_right_logical3A_955 : vector<16xi32>
        %swap3A_957 = arith.index_cast %add3A_950 : i32 to index
        %swap3A_958 = tpu.vector_load %arg5[%swap3A_957] {strides = array<i32>} : memref<8192xi32, #tpu.memory_space<vmem>>, vector<16xi32>,
        %swap3A_959 = vector.shape_cast %swap3A_958 : vector<16xi32> to vector<16xi32>
        %swap3A_960 = vector.shape_cast %shift_right_logical3A_956 : vector<16xi32> to vector<16xi32>
        tpu.vector_store %arg5[%swap3A_957], %swap3A_960 {strides = array<i32>} : memref<8192xi32, #tpu.memory_space<vmem>>, vector<16xi32>,
        %mul3A_961 = arith.constant 256 : i32
        %mul3A_962 = arith.muli %add3A_820, %mul3A_961 : i32
        %add3A_963 = arith.constant 160 : i32
        %add3A_964 = arith.addi %mul3A_962, %add3A_963 : i32
        %get3A_965 = arith.index_cast %add3A_964 : i32 to index
        %get3A_966 = tpu.vector_load %arg5[%get3A_965] {strides = array<i32>} : memref<8192xi32, #tpu.memory_space<vmem>>, vector<16xi32>,
        %get3A_967 = vector.shape_cast %get3A_966 : vector<16xi32> to vector<16xi32>
        %shift_right_logical3A_968 = arith.constant 3 : i32
        %shift_right_logical3A_969 = vector.broadcast %shift_right_logical3A_968 : i32 to vector<16xi32>
        %shift_right_logical3A_970 = arith.shrui %get3A_967, %shift_right_logical3A_969 : vector<16xi32>
        %swap3A_971 = arith.index_cast %add3A_964 : i32 to index
        %swap3A_972 = tpu.vector_load %arg5[%swap3A_971] {strides = array<i32>} : memref<8192xi32, #tpu.memory_space<vmem>>, vector<16xi32>,
        %swap3A_973 = vector.shape_cast %swap3A_972 : vector<16xi32> to vector<16xi32>
        %swap3A_974 = vector.shape_cast %shift_right_logical3A_970 : vector<16xi32> to vector<16xi32>
        tpu.vector_store %arg5[%swap3A_971], %swap3A_974 {strides = array<i32>} : memref<8192xi32, #tpu.memory_space<vmem>>, vector<16xi32>,
        %mul3A_975 = arith.constant 256 : i32
        %mul3A_976 = arith.muli %add3A_820, %mul3A_975 : i32
        %add3A_977 = arith.constant 176 : i32
        %add3A_978 = arith.addi %mul3A_976, %add3A_977 : i32
        %get3A_979 = arith.index_cast %add3A_978 : i32 to index
        %get3A_980 = tpu.vector_load %arg5[%get3A_979] {strides = array<i32>} : memref<8192xi32, #tpu.memory_space<vmem>>, vector<16xi32>,
        %get3A_981 = vector.shape_cast %get3A_980 : vector<16xi32> to vector<16xi32>
        %shift_right_logical3A_982 = arith.constant 3 : i32
        %shift_right_logical3A_983 = vector.broadcast %shift_right_logical3A_982 : i32 to vector<16xi32>
        %shift_right_logical3A_984 = arith.shrui %get3A_981, %shift_right_logical3A_983 : vector<16xi32>
        %swap3A_985 = arith.index_cast %add3A_978 : i32 to index
        %swap3A_986 = tpu.vector_load %arg5[%swap3A_985] {strides = array<i32>} : memref<8192xi32, #tpu.memory_space<vmem>>, vector<16xi32>,
        %swap3A_987 = vector.shape_cast %swap3A_986 : vector<16xi32> to vector<16xi32>
        %swap3A_988 = vector.shape_cast %shift_right_logical3A_984 : vector<16xi32> to vector<16xi32>
        tpu.vector_store %arg5[%swap3A_985], %swap3A_988 {strides = array<i32>} : memref<8192xi32, #tpu.memory_space<vmem>>, vector<16xi32>,
        %mul3A_989 = arith.constant 256 : i32
        %mul3A_990 = arith.muli %add3A_820, %mul3A_989 : i32
        %add3A_991 = arith.constant 192 : i32
        %add3A_992 = arith.addi %mul3A_990, %add3A_991 : i32
        %get3A_993 = arith.index_cast %add3A_992 : i32 to index
        %get3A_994 = tpu.vector_load %arg5[%get3A_993] {strides = array<i32>} : memref<8192xi32, #tpu.memory_space<vmem>>, vector<16xi32>,
        %get3A_995 = vector.shape_cast %get3A_994 : vector<16xi32> to vector<16xi32>
        %shift_right_logical3A_996 = arith.constant 3 : i32
        %shift_right_logical3A_997 = vector.broadcast %shift_right_logical3A_996 : i32 to vector<16xi32>
        %shift_right_logical3A_998 = arith.shrui %get3A_995, %shift_right_logical3A_997 : vector<16xi32>
        %swap3A_999 = arith.index_cast %add3A_992 : i32 to index
        %swap3A_1000 = tpu.vector_load %arg5[%swap3A_999] {strides = array<i32>} : memref<8192xi32, #tpu.memory_space<vmem>>, vector<16xi32>,
        %swap3A_1001 = vector.shape_cast %swap3A_1000 : vector<16xi32> to vector<16xi32>
        %swap3A_1002 = vector.shape_cast %shift_right_logical3A_998 : vector<16xi32> to vector<16xi32>
        tpu.vector_store %arg5[%swap3A_999], %swap3A_1002 {strides = array<i32>} : memref<8192xi32, #tpu.memory_space<vmem>>, vector<16xi32>,
        %mul3A_1003 = arith.constant 256 : i32
        %mul3A_1004 = arith.muli %add3A_820, %mul3A_1003 : i32
        %add3A_1005 = arith.constant 208 : i32
        %add3A_1006 = arith.addi %mul3A_1004, %add3A_1005 : i32
        %get3A_1007 = arith.index_cast %add3A_1006 : i32 to index
        %get3A_1008 = tpu.vector_load %arg5[%get3A_1007] {strides = array<i32>} : memref<8192xi32, #tpu.memory_space<vmem>>, vector<16xi32>,
        %get3A_1009 = vector.shape_cast %get3A_1008 : vector<16xi32> to vector<16xi32>
        %shift_right_logical3A_1010 = arith.constant 3 : i32
        %shift_right_logical3A_1011 = vector.broadcast %shift_right_logical3A_1010 : i32 to vector<16xi32>
        %shift_right_logical3A_1012 = arith.shrui %get3A_1009, %shift_right_logical3A_1011 : vector<16xi32>
        %swap3A_1013 = arith.index_cast %add3A_1006 : i32 to index
        %swap3A_1014 = tpu.vector_load %arg5[%swap3A_1013] {strides = array<i32>} : memref<8192xi32, #tpu.memory_space<vmem>>, vector<16xi32>,
        %swap3A_1015 = vector.shape_cast %swap3A_1014 : vector<16xi32> to vector<16xi32>
        %swap3A_1016 = vector.shape_cast %shift_right_logical3A_1012 : vector<16xi32> to vector<16xi32>
        tpu.vector_store %arg5[%swap3A_1013], %swap3A_1016 {strides = array<i32>} : memref<8192xi32, #tpu.memory_space<vmem>>, vector<16xi32>,
        %mul3A_1017 = arith.constant 256 : i32
        %mul3A_1018 = arith.muli %add3A_820, %mul3A_1017 : i32
        %add3A_1019 = arith.constant 224 : i32
        %add3A_1020 = arith.addi %mul3A_1018, %add3A_1019 : i32
        %get3A_1021 = arith.index_cast %add3A_1020 : i32 to index
        %get3A_1022 = tpu.vector_load %arg5[%get3A_1021] {strides = array<i32>} : memref<8192xi32, #tpu.memory_space<vmem>>, vector<16xi32>,
        %get3A_1023 = vector.shape_cast %get3A_1022 : vector<16xi32> to vector<16xi32>
        %shift_right_logical3A_1024 = arith.constant 3 : i32
        %shift_right_logical3A_1025 = vector.broadcast %shift_right_logical3A_1024 : i32 to vector<16xi32>
        %shift_right_logical3A_1026 = arith.shrui %get3A_1023, %shift_right_logical3A_1025 : vector<16xi32>
        %swap3A_1027 = arith.index_cast %add3A_1020 : i32 to index
        %swap3A_1028 = tpu.vector_load %arg5[%swap3A_1027] {strides = array<i32>} : memref<8192xi32, #tpu.memory_space<vmem>>, vector<16xi32>,
        %swap3A_1029 = vector.shape_cast %swap3A_1028 : vector<16xi32> to vector<16xi32>
        %swap3A_1030 = vector.shape_cast %shift_right_logical3A_1026 : vector<16xi32> to vector<16xi32>
        tpu.vector_store %arg5[%swap3A_1027], %swap3A_1030 {strides = array<i32>} : memref<8192xi32, #tpu.memory_space<vmem>>, vector<16xi32>,
        %mul3A_1031 = arith.constant 256 : i32
        %mul3A_1032 = arith.muli %add3A_820, %mul3A_1031 : i32
        %add3A_1033 = arith.constant 240 : i32
        %add3A_1034 = arith.addi %mul3A_1032, %add3A_1033 : i32
        %get3A_1035 = arith.index_cast %add3A_1034 : i32 to index
        %get3A_1036 = tpu.vector_load %arg5[%get3A_1035] {strides = array<i32>} : memref<8192xi32, #tpu.memory_space<vmem>>, vector<16xi32>,
        %get3A_1037 = vector.shape_cast %get3A_1036 : vector<16xi32> to vector<16xi32>
        %shift_right_logical3A_1038 = arith.constant 3 : i32
        %shift_right_logical3A_1039 = vector.broadcast %shift_right_logical3A_1038 : i32 to vector<16xi32>
        %shift_right_logical3A_1040 = arith.shrui %get3A_1037, %shift_right_logical3A_1039 : vector<16xi32>
        %swap3A_1041 = arith.index_cast %add3A_1034 : i32 to index
        %swap3A_1042 = tpu.vector_load %arg5[%swap3A_1041] {strides = array<i32>} : memref<8192xi32, #tpu.memory_space<vmem>>, vector<16xi32>,
        %swap3A_1043 = vector.shape_cast %swap3A_1042 : vector<16xi32> to vector<16xi32>
        %swap3A_1044 = vector.shape_cast %shift_right_logical3A_1040 : vector<16xi32> to vector<16xi32>
        tpu.vector_store %arg5[%swap3A_1041], %swap3A_1044 {strides = array<i32>} : memref<8192xi32, #tpu.memory_space<vmem>>, vector<16xi32>,
        %add3A_1045 = arith.constant 3 : i32
        %add3A_1046 = arith.addi %add3A_651, %add3A_1045 : i32
        %mul3A_1047 = arith.constant 256 : i32
        %mul3A_1048 = arith.muli %add3A_1046, %mul3A_1047 : i32
        %add3A_1049 = arith.constant 0 : i32
        %add3A_1050 = arith.addi %mul3A_1048, %add3A_1049 : i32
        %dma_start3A_1051 = arith.constant 0 : i32
        %dma_start3A_1052 = arith.constant 0 : i32
        %dma_start3A_1053 = tpu.memref_slice %arg6[%dma_start3A_1051, %dma_start3A_1052] : memref<256x128xf32, #tpu.memory_space<vmem>> -> memref<64x128xf32, #tpu.memory_space<vmem>>
        %dma_start3A_1054 = tpu.memref_slice %arg5[%add3A_1050] : memref<8192xi32, #tpu.memory_space<vmem>> -> memref<64xi32, #tpu.memory_space<vmem>>
        %dma_start3A_1055 = arith.constant 0 : i32
        %dma_start3A_1056 = arith.constant 0 : i32
        %dma_start3A_1057 = tpu.memref_slice %arg2[%dma_start3A_1055, %dma_start3A_1056] : memref<65536x128xf32, #tpu.memory_space<hbm>> -> memref<65536x128xf32, #tpu.memory_space<hbm>>
        tpu.enqueue_indirect_dma source(%dma_start3A_1057 : memref<65536x128xf32, #tpu.memory_space<hbm>>) target(%dma_start3A_1053 : memref<64x128xf32, #tpu.memory_space<vmem>>) offsets(%dma_start3A_1054 : memref<64xi32, #tpu.memory_space<vmem>>) semaphore(%arg9 : memref<!tpu.dma_semaphore, #tpu.memory_space<semaphore_mem>>)
        %mul3A_1058 = arith.constant 256 : i32
        %mul3A_1059 = arith.muli %add3A_1046, %mul3A_1058 : i32
        %add3A_1060 = arith.constant 64 : i32
        %add3A_1061 = arith.addi %mul3A_1059, %add3A_1060 : i32
        %dma_start3A_1062 = arith.constant 64 : i32
        %dma_start3A_1063 = arith.constant 0 : i32
        %dma_start3A_1064 = tpu.memref_slice %arg6[%dma_start3A_1062, %dma_start3A_1063] : memref<256x128xf32, #tpu.memory_space<vmem>> -> memref<64x128xf32, #tpu.memory_space<vmem>>
        %dma_start3A_1065 = tpu.memref_slice %arg5[%add3A_1061] : memref<8192xi32, #tpu.memory_space<vmem>> -> memref<64xi32, #tpu.memory_space<vmem>>
        %dma_start3A_1066 = arith.constant 0 : i32
        %dma_start3A_1067 = arith.constant 0 : i32
        %dma_start3A_1068 = tpu.memref_slice %arg2[%dma_start3A_1066, %dma_start3A_1067] : memref<65536x128xf32, #tpu.memory_space<hbm>> -> memref<65536x128xf32, #tpu.memory_space<hbm>>
        tpu.enqueue_indirect_dma source(%dma_start3A_1068 : memref<65536x128xf32, #tpu.memory_space<hbm>>) target(%dma_start3A_1064 : memref<64x128xf32, #tpu.memory_space<vmem>>) offsets(%dma_start3A_1065 : memref<64xi32, #tpu.memory_space<vmem>>) semaphore(%arg9 : memref<!tpu.dma_semaphore, #tpu.memory_space<semaphore_mem>>)
        %mul3A_1069 = arith.constant 256 : i32
        %mul3A_1070 = arith.muli %add3A_1046, %mul3A_1069 : i32
        %add3A_1071 = arith.constant 128 : i32
        %add3A_1072 = arith.addi %mul3A_1070, %add3A_1071 : i32
        %dma_start3A_1073 = arith.constant 128 : i32
        %dma_start3A_1074 = arith.constant 0 : i32
        %dma_start3A_1075 = tpu.memref_slice %arg6[%dma_start3A_1073, %dma_start3A_1074] : memref<256x128xf32, #tpu.memory_space<vmem>> -> memref<64x128xf32, #tpu.memory_space<vmem>>
        %dma_start3A_1076 = tpu.memref_slice %arg5[%add3A_1072] : memref<8192xi32, #tpu.memory_space<vmem>> -> memref<64xi32, #tpu.memory_space<vmem>>
        %dma_start3A_1077 = arith.constant 0 : i32
        %dma_start3A_1078 = arith.constant 0 : i32
        %dma_start3A_1079 = tpu.memref_slice %arg2[%dma_start3A_1077, %dma_start3A_1078] : memref<65536x128xf32, #tpu.memory_space<hbm>> -> memref<65536x128xf32, #tpu.memory_space<hbm>>
        tpu.enqueue_indirect_dma source(%dma_start3A_1079 : memref<65536x128xf32, #tpu.memory_space<hbm>>) target(%dma_start3A_1075 : memref<64x128xf32, #tpu.memory_space<vmem>>) offsets(%dma_start3A_1076 : memref<64xi32, #tpu.memory_space<vmem>>) semaphore(%arg9 : memref<!tpu.dma_semaphore, #tpu.memory_space<semaphore_mem>>)
        %mul3A_1080 = arith.constant 256 : i32
        %mul3A_1081 = arith.muli %add3A_1046, %mul3A_1080 : i32
        %add3A_1082 = arith.constant 192 : i32
        %add3A_1083 = arith.addi %mul3A_1081, %add3A_1082 : i32
        %dma_start3A_1084 = arith.constant 192 : i32
        %dma_start3A_1085 = arith.constant 0 : i32
        %dma_start3A_1086 = tpu.memref_slice %arg6[%dma_start3A_1084, %dma_start3A_1085] : memref<256x128xf32, #tpu.memory_space<vmem>> -> memref<64x128xf32, #tpu.memory_space<vmem>>
        %dma_start3A_1087 = tpu.memref_slice %arg5[%add3A_1083] : memref<8192xi32, #tpu.memory_space<vmem>> -> memref<64xi32, #tpu.memory_space<vmem>>
        %dma_start3A_1088 = arith.constant 0 : i32
        %dma_start3A_1089 = arith.constant 0 : i32
        %dma_start3A_1090 = tpu.memref_slice %arg2[%dma_start3A_1088, %dma_start3A_1089] : memref<65536x128xf32, #tpu.memory_space<hbm>> -> memref<65536x128xf32, #tpu.memory_space<hbm>>
        tpu.enqueue_indirect_dma source(%dma_start3A_1090 : memref<65536x128xf32, #tpu.memory_space<hbm>>) target(%dma_start3A_1086 : memref<64x128xf32, #tpu.memory_space<vmem>>) offsets(%dma_start3A_1087 : memref<64xi32, #tpu.memory_space<vmem>>) semaphore(%arg9 : memref<!tpu.dma_semaphore, #tpu.memory_space<semaphore_mem>>)
      } else {
      }
      %mul3A_703 = arith.constant 3 : i32
      %mul3A_704 = arith.muli %scan3A_647, %mul3A_703 : i32
      %add3A_705 = arith.constant 1 : i32
      %add3A_706 = arith.addi %mul3A_704, %add3A_705 : i32
      %mul3A_707 = arith.constant 256 : i32
      %mul3A_708 = arith.muli %add3A_706, %mul3A_707 : i32
      %add3A_709 = arith.constant 0 : i32
      %add3A_710 = arith.addi %mul3A_708, %add3A_709 : i32
      %dma_wait3A_711 = arith.constant 0 : i32
      %dma_wait3A_712 = arith.constant 0 : i32
      %dma_wait3A_713 = tpu.memref_slice %arg7[%dma_wait3A_711, %dma_wait3A_712] : memref<256x128xf32, #tpu.memory_space<vmem>> -> memref<64x128xf32, #tpu.memory_space<vmem>>
      %dma_wait3A_714 = tpu.memref_slice %arg5[%add3A_710] : memref<8192xi32, #tpu.memory_space<vmem>> -> memref<64xi32, #tpu.memory_space<vmem>>
      %dma_wait3A_715 = arith.constant 0 : i32
      %dma_wait3A_716 = arith.constant 0 : i32
      %dma_wait3A_717 = tpu.memref_slice %arg2[%dma_wait3A_715, %dma_wait3A_716] : memref<65536x128xf32, #tpu.memory_space<hbm>> -> memref<65536x128xf32, #tpu.memory_space<hbm>>
      tpu.wait_indirect_dma semaphore(%arg10 : memref<!tpu.dma_semaphore, #tpu.memory_space<semaphore_mem>>) src(%dma_wait3A_717 : memref<65536x128xf32, #tpu.memory_space<hbm>>) dst(%dma_wait3A_713 : memref<64x128xf32, #tpu.memory_space<vmem>>)
      %mul3A_718 = arith.constant 256 : i32
      %mul3A_719 = arith.muli %add3A_706, %mul3A_718 : i32
      %add3A_720 = arith.constant 64 : i32
      %add3A_721 = arith.addi %mul3A_719, %add3A_720 : i32
      %dma_wait3A_722 = arith.constant 64 : i32
      %dma_wait3A_723 = arith.constant 0 : i32
      %dma_wait3A_724 = tpu.memref_slice %arg7[%dma_wait3A_722, %dma_wait3A_723] : memref<256x128xf32, #tpu.memory_space<vmem>> -> memref<64x128xf32, #tpu.memory_space<vmem>>
      %dma_wait3A_725 = tpu.memref_slice %arg5[%add3A_721] : memref<8192xi32, #tpu.memory_space<vmem>> -> memref<64xi32, #tpu.memory_space<vmem>>
      %dma_wait3A_726 = arith.constant 0 : i32
      %dma_wait3A_727 = arith.constant 0 : i32
      %dma_wait3A_728 = tpu.memref_slice %arg2[%dma_wait3A_726, %dma_wait3A_727] : memref<65536x128xf32, #tpu.memory_space<hbm>> -> memref<65536x128xf32, #tpu.memory_space<hbm>>
      tpu.wait_indirect_dma semaphore(%arg10 : memref<!tpu.dma_semaphore, #tpu.memory_space<semaphore_mem>>) src(%dma_wait3A_728 : memref<65536x128xf32, #tpu.memory_space<hbm>>) dst(%dma_wait3A_724 : memref<64x128xf32, #tpu.memory_space<vmem>>)
      %mul3A_729 = arith.constant 256 : i32
      %mul3A_730 = arith.muli %add3A_706, %mul3A_729 : i32
      %add3A_731 = arith.constant 128 : i32
      %add3A_732 = arith.addi %mul3A_730, %add3A_731 : i32
      %dma_wait3A_733 = arith.constant 128 : i32
      %dma_wait3A_734 = arith.constant 0 : i32
      %dma_wait3A_735 = tpu.memref_slice %arg7[%dma_wait3A_733, %dma_wait3A_734] : memref<256x128xf32, #tpu.memory_space<vmem>> -> memref<64x128xf32, #tpu.memory_space<vmem>>
      %dma_wait3A_736 = tpu.memref_slice %arg5[%add3A_732] : memref<8192xi32, #tpu.memory_space<vmem>> -> memref<64xi32, #tpu.memory_space<vmem>>
      %dma_wait3A_737 = arith.constant 0 : i32
      %dma_wait3A_738 = arith.constant 0 : i32
      %dma_wait3A_739 = tpu.memref_slice %arg2[%dma_wait3A_737, %dma_wait3A_738] : memref<65536x128xf32, #tpu.memory_space<hbm>> -> memref<65536x128xf32, #tpu.memory_space<hbm>>
      tpu.wait_indirect_dma semaphore(%arg10 : memref<!tpu.dma_semaphore, #tpu.memory_space<semaphore_mem>>) src(%dma_wait3A_739 : memref<65536x128xf32, #tpu.memory_space<hbm>>) dst(%dma_wait3A_735 : memref<64x128xf32, #tpu.memory_space<vmem>>)
      %mul3A_740 = arith.constant 256 : i32
      %mul3A_741 = arith.muli %add3A_706, %mul3A_740 : i32
      %add3A_742 = arith.constant 192 : i32
      %add3A_743 = arith.addi %mul3A_741, %add3A_742 : i32
      %dma_wait3A_744 = arith.constant 192 : i32
      %dma_wait3A_745 = arith.constant 0 : i32
      %dma_wait3A_746 = tpu.memref_slice %arg7[%dma_wait3A_744, %dma_wait3A_745] : memref<256x128xf32, #tpu.memory_space<vmem>> -> memref<64x128xf32, #tpu.memory_space<vmem>>
      %dma_wait3A_747 = tpu.memref_slice %arg5[%add3A_743] : memref<8192xi32, #tpu.memory_space<vmem>> -> memref<64xi32, #tpu.memory_space<vmem>>
      %dma_wait3A_748 = arith.constant 0 : i32
      %dma_wait3A_749 = arith.constant 0 : i32
      %dma_wait3A_750 = tpu.memref_slice %arg2[%dma_wait3A_748, %dma_wait3A_749] : memref<65536x128xf32, #tpu.memory_space<hbm>> -> memref<65536x128xf32, #tpu.memory_space<hbm>>
      tpu.wait_indirect_dma semaphore(%arg10 : memref<!tpu.dma_semaphore, #tpu.memory_space<semaphore_mem>>) src(%dma_wait3A_750 : memref<65536x128xf32, #tpu.memory_space<hbm>>) dst(%dma_wait3A_746 : memref<64x128xf32, #tpu.memory_space<vmem>>)
      %mul3A_751 = arith.constant 256 : i32
      %mul3A_752 = arith.muli %add3A_706, %mul3A_751 : i32
      %add3A_753 = arith.addi %mul3A_2, %mul3A_752 : i32
      "tpu.region"() ({
        %run_scoped3A = tpu.sem_alloc : memref<!tpu.dma_semaphore, #tpu.memory_space<semaphore_mem>>
        %dma_start3A_819 = arith.constant 0 : i32
        %dma_start3A_820 = tpu.memref_slice %arg4[%add3A_753, %dma_start3A_819] : memref<262144x128xf32, #tpu.memory_space<hbm>> -> memref<256x128xf32, #tpu.memory_space<hbm>>
        %dma_start3A_821 = arith.constant 0 : i32
        %dma_start3A_822 = tpu.memref_slice %arg4[%add3A_753, %dma_start3A_821] : memref<262144x128xf32, #tpu.memory_space<hbm>> -> memref<256x128xf32, #tpu.memory_space<hbm>>
        tpu.enqueue_dma source(%arg7 : memref<256x128xf32, #tpu.memory_space<vmem>>) target(%dma_start3A_822 : memref<256x128xf32, #tpu.memory_space<hbm>>) target_semaphore(%run_scoped3A : memref<!tpu.dma_semaphore, #tpu.memory_space<semaphore_mem>>)
        %dma_wait3A_823 = arith.constant 0 : i32
        %dma_wait3A_824 = tpu.memref_slice %arg4[%add3A_753, %dma_wait3A_823] : memref<262144x128xf32, #tpu.memory_space<hbm>> -> memref<256x128xf32, #tpu.memory_space<hbm>>
        %dma_wait3A_825 = arith.constant 0 : i32
        %dma_wait3A_826 = tpu.memref_slice %arg4[%add3A_753, %dma_wait3A_825] : memref<262144x128xf32, #tpu.memory_space<hbm>> -> memref<256x128xf32, #tpu.memory_space<hbm>>
        tpu.wait_dma2 semaphore(%run_scoped3A : memref<!tpu.dma_semaphore, #tpu.memory_space<semaphore_mem>>) src(%arg7 : memref<256x128xf32, #tpu.memory_space<vmem>>) dst(%dma_wait3A_826 : memref<256x128xf32, #tpu.memory_space<hbm>>)
        tpu.yield
      }) : () -> ()
      %add3A_754 = arith.constant 3 : i32
      %add3A_755 = arith.addi %add3A_706, %add3A_754 : i32
      %lt3A_756 = arith.constant 32 : i32
      %lt3A_757 = arith.cmpi slt, %add3A_755, %lt3A_756 : i32
      %convert_element_type3A_758 = arith.extui %lt3A_757 : i1 to i32
      %cond3A_759 = arith.constant 0 : i32
      %cond3A_760 = arith.cmpi ne, %convert_element_type3A_758, %cond3A_759 : i32
      scf.if %cond3A_760 {
        %add3A_819 = arith.constant 3 : i32
        %add3A_820 = arith.addi %add3A_706, %add3A_819 : i32
        %mul3A_821 = arith.constant 256 : i32
        %mul3A_822 = arith.muli %add3A_820, %mul3A_821 : i32
        %add3A_823 = arith.constant 0 : i32
        %add3A_824 = arith.addi %mul3A_822, %add3A_823 : i32
        %get3A_825 = arith.index_cast %add3A_824 : i32 to index
        %get3A_826 = tpu.vector_load %arg5[%get3A_825] {strides = array<i32>} : memref<8192xi32, #tpu.memory_space<vmem>>, vector<16xi32>,
        %get3A_827 = vector.shape_cast %get3A_826 : vector<16xi32> to vector<16xi32>
        %shift_right_logical3A_828 = arith.constant 3 : i32
        %shift_right_logical3A_829 = vector.broadcast %shift_right_logical3A_828 : i32 to vector<16xi32>
        %shift_right_logical3A_830 = arith.shrui %get3A_827, %shift_right_logical3A_829 : vector<16xi32>
        %swap3A_831 = arith.index_cast %add3A_824 : i32 to index
        %swap3A_832 = tpu.vector_load %arg5[%swap3A_831] {strides = array<i32>} : memref<8192xi32, #tpu.memory_space<vmem>>, vector<16xi32>,
        %swap3A_833 = vector.shape_cast %swap3A_832 : vector<16xi32> to vector<16xi32>
        %swap3A_834 = vector.shape_cast %shift_right_logical3A_830 : vector<16xi32> to vector<16xi32>
        tpu.vector_store %arg5[%swap3A_831], %swap3A_834 {strides = array<i32>} : memref<8192xi32, #tpu.memory_space<vmem>>, vector<16xi32>,
        %mul3A_835 = arith.constant 256 : i32
        %mul3A_836 = arith.muli %add3A_820, %mul3A_835 : i32
        %add3A_837 = arith.constant 16 : i32
        %add3A_838 = arith.addi %mul3A_836, %add3A_837 : i32
        %get3A_839 = arith.index_cast %add3A_838 : i32 to index
        %get3A_840 = tpu.vector_load %arg5[%get3A_839] {strides = array<i32>} : memref<8192xi32, #tpu.memory_space<vmem>>, vector<16xi32>,
        %get3A_841 = vector.shape_cast %get3A_840 : vector<16xi32> to vector<16xi32>
        %shift_right_logical3A_842 = arith.constant 3 : i32
        %shift_right_logical3A_843 = vector.broadcast %shift_right_logical3A_842 : i32 to vector<16xi32>
        %shift_right_logical3A_844 = arith.shrui %get3A_841, %shift_right_logical3A_843 : vector<16xi32>
        %swap3A_845 = arith.index_cast %add3A_838 : i32 to index
        %swap3A_846 = tpu.vector_load %arg5[%swap3A_845] {strides = array<i32>} : memref<8192xi32, #tpu.memory_space<vmem>>, vector<16xi32>,
        %swap3A_847 = vector.shape_cast %swap3A_846 : vector<16xi32> to vector<16xi32>
        %swap3A_848 = vector.shape_cast %shift_right_logical3A_844 : vector<16xi32> to vector<16xi32>
        tpu.vector_store %arg5[%swap3A_845], %swap3A_848 {strides = array<i32>} : memref<8192xi32, #tpu.memory_space<vmem>>, vector<16xi32>,
        %mul3A_849 = arith.constant 256 : i32
        %mul3A_850 = arith.muli %add3A_820, %mul3A_849 : i32
        %add3A_851 = arith.constant 32 : i32
        %add3A_852 = arith.addi %mul3A_850, %add3A_851 : i32
        %get3A_853 = arith.index_cast %add3A_852 : i32 to index
        %get3A_854 = tpu.vector_load %arg5[%get3A_853] {strides = array<i32>} : memref<8192xi32, #tpu.memory_space<vmem>>, vector<16xi32>,
        %get3A_855 = vector.shape_cast %get3A_854 : vector<16xi32> to vector<16xi32>
        %shift_right_logical3A_856 = arith.constant 3 : i32
        %shift_right_logical3A_857 = vector.broadcast %shift_right_logical3A_856 : i32 to vector<16xi32>
        %shift_right_logical3A_858 = arith.shrui %get3A_855, %shift_right_logical3A_857 : vector<16xi32>
        %swap3A_859 = arith.index_cast %add3A_852 : i32 to index
        %swap3A_860 = tpu.vector_load %arg5[%swap3A_859] {strides = array<i32>} : memref<8192xi32, #tpu.memory_space<vmem>>, vector<16xi32>,
        %swap3A_861 = vector.shape_cast %swap3A_860 : vector<16xi32> to vector<16xi32>
        %swap3A_862 = vector.shape_cast %shift_right_logical3A_858 : vector<16xi32> to vector<16xi32>
        tpu.vector_store %arg5[%swap3A_859], %swap3A_862 {strides = array<i32>} : memref<8192xi32, #tpu.memory_space<vmem>>, vector<16xi32>,
        %mul3A_863 = arith.constant 256 : i32
        %mul3A_864 = arith.muli %add3A_820, %mul3A_863 : i32
        %add3A_865 = arith.constant 48 : i32
        %add3A_866 = arith.addi %mul3A_864, %add3A_865 : i32
        %get3A_867 = arith.index_cast %add3A_866 : i32 to index
        %get3A_868 = tpu.vector_load %arg5[%get3A_867] {strides = array<i32>} : memref<8192xi32, #tpu.memory_space<vmem>>, vector<16xi32>,
        %get3A_869 = vector.shape_cast %get3A_868 : vector<16xi32> to vector<16xi32>
        %shift_right_logical3A_870 = arith.constant 3 : i32
        %shift_right_logical3A_871 = vector.broadcast %shift_right_logical3A_870 : i32 to vector<16xi32>
        %shift_right_logical3A_872 = arith.shrui %get3A_869, %shift_right_logical3A_871 : vector<16xi32>
        %swap3A_873 = arith.index_cast %add3A_866 : i32 to index
        %swap3A_874 = tpu.vector_load %arg5[%swap3A_873] {strides = array<i32>} : memref<8192xi32, #tpu.memory_space<vmem>>, vector<16xi32>,
        %swap3A_875 = vector.shape_cast %swap3A_874 : vector<16xi32> to vector<16xi32>
        %swap3A_876 = vector.shape_cast %shift_right_logical3A_872 : vector<16xi32> to vector<16xi32>
        tpu.vector_store %arg5[%swap3A_873], %swap3A_876 {strides = array<i32>} : memref<8192xi32, #tpu.memory_space<vmem>>, vector<16xi32>,
        %mul3A_877 = arith.constant 256 : i32
        %mul3A_878 = arith.muli %add3A_820, %mul3A_877 : i32
        %add3A_879 = arith.constant 64 : i32
        %add3A_880 = arith.addi %mul3A_878, %add3A_879 : i32
        %get3A_881 = arith.index_cast %add3A_880 : i32 to index
        %get3A_882 = tpu.vector_load %arg5[%get3A_881] {strides = array<i32>} : memref<8192xi32, #tpu.memory_space<vmem>>, vector<16xi32>,
        %get3A_883 = vector.shape_cast %get3A_882 : vector<16xi32> to vector<16xi32>
        %shift_right_logical3A_884 = arith.constant 3 : i32
        %shift_right_logical3A_885 = vector.broadcast %shift_right_logical3A_884 : i32 to vector<16xi32>
        %shift_right_logical3A_886 = arith.shrui %get3A_883, %shift_right_logical3A_885 : vector<16xi32>
        %swap3A_887 = arith.index_cast %add3A_880 : i32 to index
        %swap3A_888 = tpu.vector_load %arg5[%swap3A_887] {strides = array<i32>} : memref<8192xi32, #tpu.memory_space<vmem>>, vector<16xi32>,
        %swap3A_889 = vector.shape_cast %swap3A_888 : vector<16xi32> to vector<16xi32>
        %swap3A_890 = vector.shape_cast %shift_right_logical3A_886 : vector<16xi32> to vector<16xi32>
        tpu.vector_store %arg5[%swap3A_887], %swap3A_890 {strides = array<i32>} : memref<8192xi32, #tpu.memory_space<vmem>>, vector<16xi32>,
        %mul3A_891 = arith.constant 256 : i32
        %mul3A_892 = arith.muli %add3A_820, %mul3A_891 : i32
        %add3A_893 = arith.constant 80 : i32
        %add3A_894 = arith.addi %mul3A_892, %add3A_893 : i32
        %get3A_895 = arith.index_cast %add3A_894 : i32 to index
        %get3A_896 = tpu.vector_load %arg5[%get3A_895] {strides = array<i32>} : memref<8192xi32, #tpu.memory_space<vmem>>, vector<16xi32>,
        %get3A_897 = vector.shape_cast %get3A_896 : vector<16xi32> to vector<16xi32>
        %shift_right_logical3A_898 = arith.constant 3 : i32
        %shift_right_logical3A_899 = vector.broadcast %shift_right_logical3A_898 : i32 to vector<16xi32>
        %shift_right_logical3A_900 = arith.shrui %get3A_897, %shift_right_logical3A_899 : vector<16xi32>
        %swap3A_901 = arith.index_cast %add3A_894 : i32 to index
        %swap3A_902 = tpu.vector_load %arg5[%swap3A_901] {strides = array<i32>} : memref<8192xi32, #tpu.memory_space<vmem>>, vector<16xi32>,
        %swap3A_903 = vector.shape_cast %swap3A_902 : vector<16xi32> to vector<16xi32>
        %swap3A_904 = vector.shape_cast %shift_right_logical3A_900 : vector<16xi32> to vector<16xi32>
        tpu.vector_store %arg5[%swap3A_901], %swap3A_904 {strides = array<i32>} : memref<8192xi32, #tpu.memory_space<vmem>>, vector<16xi32>,
        %mul3A_905 = arith.constant 256 : i32
        %mul3A_906 = arith.muli %add3A_820, %mul3A_905 : i32
        %add3A_907 = arith.constant 96 : i32
        %add3A_908 = arith.addi %mul3A_906, %add3A_907 : i32
        %get3A_909 = arith.index_cast %add3A_908 : i32 to index
        %get3A_910 = tpu.vector_load %arg5[%get3A_909] {strides = array<i32>} : memref<8192xi32, #tpu.memory_space<vmem>>, vector<16xi32>,
        %get3A_911 = vector.shape_cast %get3A_910 : vector<16xi32> to vector<16xi32>
        %shift_right_logical3A_912 = arith.constant 3 : i32
        %shift_right_logical3A_913 = vector.broadcast %shift_right_logical3A_912 : i32 to vector<16xi32>
        %shift_right_logical3A_914 = arith.shrui %get3A_911, %shift_right_logical3A_913 : vector<16xi32>
        %swap3A_915 = arith.index_cast %add3A_908 : i32 to index
        %swap3A_916 = tpu.vector_load %arg5[%swap3A_915] {strides = array<i32>} : memref<8192xi32, #tpu.memory_space<vmem>>, vector<16xi32>,
        %swap3A_917 = vector.shape_cast %swap3A_916 : vector<16xi32> to vector<16xi32>
        %swap3A_918 = vector.shape_cast %shift_right_logical3A_914 : vector<16xi32> to vector<16xi32>
        tpu.vector_store %arg5[%swap3A_915], %swap3A_918 {strides = array<i32>} : memref<8192xi32, #tpu.memory_space<vmem>>, vector<16xi32>,
        %mul3A_919 = arith.constant 256 : i32
        %mul3A_920 = arith.muli %add3A_820, %mul3A_919 : i32
        %add3A_921 = arith.constant 112 : i32
        %add3A_922 = arith.addi %mul3A_920, %add3A_921 : i32
        %get3A_923 = arith.index_cast %add3A_922 : i32 to index
        %get3A_924 = tpu.vector_load %arg5[%get3A_923] {strides = array<i32>} : memref<8192xi32, #tpu.memory_space<vmem>>, vector<16xi32>,
        %get3A_925 = vector.shape_cast %get3A_924 : vector<16xi32> to vector<16xi32>
        %shift_right_logical3A_926 = arith.constant 3 : i32
        %shift_right_logical3A_927 = vector.broadcast %shift_right_logical3A_926 : i32 to vector<16xi32>
        %shift_right_logical3A_928 = arith.shrui %get3A_925, %shift_right_logical3A_927 : vector<16xi32>
        %swap3A_929 = arith.index_cast %add3A_922 : i32 to index
        %swap3A_930 = tpu.vector_load %arg5[%swap3A_929] {strides = array<i32>} : memref<8192xi32, #tpu.memory_space<vmem>>, vector<16xi32>,
        %swap3A_931 = vector.shape_cast %swap3A_930 : vector<16xi32> to vector<16xi32>
        %swap3A_932 = vector.shape_cast %shift_right_logical3A_928 : vector<16xi32> to vector<16xi32>
        tpu.vector_store %arg5[%swap3A_929], %swap3A_932 {strides = array<i32>} : memref<8192xi32, #tpu.memory_space<vmem>>, vector<16xi32>,
        %mul3A_933 = arith.constant 256 : i32
        %mul3A_934 = arith.muli %add3A_820, %mul3A_933 : i32
        %add3A_935 = arith.constant 128 : i32
        %add3A_936 = arith.addi %mul3A_934, %add3A_935 : i32
        %get3A_937 = arith.index_cast %add3A_936 : i32 to index
        %get3A_938 = tpu.vector_load %arg5[%get3A_937] {strides = array<i32>} : memref<8192xi32, #tpu.memory_space<vmem>>, vector<16xi32>,
        %get3A_939 = vector.shape_cast %get3A_938 : vector<16xi32> to vector<16xi32>
        %shift_right_logical3A_940 = arith.constant 3 : i32
        %shift_right_logical3A_941 = vector.broadcast %shift_right_logical3A_940 : i32 to vector<16xi32>
        %shift_right_logical3A_942 = arith.shrui %get3A_939, %shift_right_logical3A_941 : vector<16xi32>
        %swap3A_943 = arith.index_cast %add3A_936 : i32 to index
        %swap3A_944 = tpu.vector_load %arg5[%swap3A_943] {strides = array<i32>} : memref<8192xi32, #tpu.memory_space<vmem>>, vector<16xi32>,
        %swap3A_945 = vector.shape_cast %swap3A_944 : vector<16xi32> to vector<16xi32>
        %swap3A_946 = vector.shape_cast %shift_right_logical3A_942 : vector<16xi32> to vector<16xi32>
        tpu.vector_store %arg5[%swap3A_943], %swap3A_946 {strides = array<i32>} : memref<8192xi32, #tpu.memory_space<vmem>>, vector<16xi32>,
        %mul3A_947 = arith.constant 256 : i32
        %mul3A_948 = arith.muli %add3A_820, %mul3A_947 : i32
        %add3A_949 = arith.constant 144 : i32
        %add3A_950 = arith.addi %mul3A_948, %add3A_949 : i32
        %get3A_951 = arith.index_cast %add3A_950 : i32 to index
        %get3A_952 = tpu.vector_load %arg5[%get3A_951] {strides = array<i32>} : memref<8192xi32, #tpu.memory_space<vmem>>, vector<16xi32>,
        %get3A_953 = vector.shape_cast %get3A_952 : vector<16xi32> to vector<16xi32>
        %shift_right_logical3A_954 = arith.constant 3 : i32
        %shift_right_logical3A_955 = vector.broadcast %shift_right_logical3A_954 : i32 to vector<16xi32>
        %shift_right_logical3A_956 = arith.shrui %get3A_953, %shift_right_logical3A_955 : vector<16xi32>
        %swap3A_957 = arith.index_cast %add3A_950 : i32 to index
        %swap3A_958 = tpu.vector_load %arg5[%swap3A_957] {strides = array<i32>} : memref<8192xi32, #tpu.memory_space<vmem>>, vector<16xi32>,
        %swap3A_959 = vector.shape_cast %swap3A_958 : vector<16xi32> to vector<16xi32>
        %swap3A_960 = vector.shape_cast %shift_right_logical3A_956 : vector<16xi32> to vector<16xi32>
        tpu.vector_store %arg5[%swap3A_957], %swap3A_960 {strides = array<i32>} : memref<8192xi32, #tpu.memory_space<vmem>>, vector<16xi32>,
        %mul3A_961 = arith.constant 256 : i32
        %mul3A_962 = arith.muli %add3A_820, %mul3A_961 : i32
        %add3A_963 = arith.constant 160 : i32
        %add3A_964 = arith.addi %mul3A_962, %add3A_963 : i32
        %get3A_965 = arith.index_cast %add3A_964 : i32 to index
        %get3A_966 = tpu.vector_load %arg5[%get3A_965] {strides = array<i32>} : memref<8192xi32, #tpu.memory_space<vmem>>, vector<16xi32>,
        %get3A_967 = vector.shape_cast %get3A_966 : vector<16xi32> to vector<16xi32>
        %shift_right_logical3A_968 = arith.constant 3 : i32
        %shift_right_logical3A_969 = vector.broadcast %shift_right_logical3A_968 : i32 to vector<16xi32>
        %shift_right_logical3A_970 = arith.shrui %get3A_967, %shift_right_logical3A_969 : vector<16xi32>
        %swap3A_971 = arith.index_cast %add3A_964 : i32 to index
        %swap3A_972 = tpu.vector_load %arg5[%swap3A_971] {strides = array<i32>} : memref<8192xi32, #tpu.memory_space<vmem>>, vector<16xi32>,
        %swap3A_973 = vector.shape_cast %swap3A_972 : vector<16xi32> to vector<16xi32>
        %swap3A_974 = vector.shape_cast %shift_right_logical3A_970 : vector<16xi32> to vector<16xi32>
        tpu.vector_store %arg5[%swap3A_971], %swap3A_974 {strides = array<i32>} : memref<8192xi32, #tpu.memory_space<vmem>>, vector<16xi32>,
        %mul3A_975 = arith.constant 256 : i32
        %mul3A_976 = arith.muli %add3A_820, %mul3A_975 : i32
        %add3A_977 = arith.constant 176 : i32
        %add3A_978 = arith.addi %mul3A_976, %add3A_977 : i32
        %get3A_979 = arith.index_cast %add3A_978 : i32 to index
        %get3A_980 = tpu.vector_load %arg5[%get3A_979] {strides = array<i32>} : memref<8192xi32, #tpu.memory_space<vmem>>, vector<16xi32>,
        %get3A_981 = vector.shape_cast %get3A_980 : vector<16xi32> to vector<16xi32>
        %shift_right_logical3A_982 = arith.constant 3 : i32
        %shift_right_logical3A_983 = vector.broadcast %shift_right_logical3A_982 : i32 to vector<16xi32>
        %shift_right_logical3A_984 = arith.shrui %get3A_981, %shift_right_logical3A_983 : vector<16xi32>
        %swap3A_985 = arith.index_cast %add3A_978 : i32 to index
        %swap3A_986 = tpu.vector_load %arg5[%swap3A_985] {strides = array<i32>} : memref<8192xi32, #tpu.memory_space<vmem>>, vector<16xi32>,
        %swap3A_987 = vector.shape_cast %swap3A_986 : vector<16xi32> to vector<16xi32>
        %swap3A_988 = vector.shape_cast %shift_right_logical3A_984 : vector<16xi32> to vector<16xi32>
        tpu.vector_store %arg5[%swap3A_985], %swap3A_988 {strides = array<i32>} : memref<8192xi32, #tpu.memory_space<vmem>>, vector<16xi32>,
        %mul3A_989 = arith.constant 256 : i32
        %mul3A_990 = arith.muli %add3A_820, %mul3A_989 : i32
        %add3A_991 = arith.constant 192 : i32
        %add3A_992 = arith.addi %mul3A_990, %add3A_991 : i32
        %get3A_993 = arith.index_cast %add3A_992 : i32 to index
        %get3A_994 = tpu.vector_load %arg5[%get3A_993] {strides = array<i32>} : memref<8192xi32, #tpu.memory_space<vmem>>, vector<16xi32>,
        %get3A_995 = vector.shape_cast %get3A_994 : vector<16xi32> to vector<16xi32>
        %shift_right_logical3A_996 = arith.constant 3 : i32
        %shift_right_logical3A_997 = vector.broadcast %shift_right_logical3A_996 : i32 to vector<16xi32>
        %shift_right_logical3A_998 = arith.shrui %get3A_995, %shift_right_logical3A_997 : vector<16xi32>
        %swap3A_999 = arith.index_cast %add3A_992 : i32 to index
        %swap3A_1000 = tpu.vector_load %arg5[%swap3A_999] {strides = array<i32>} : memref<8192xi32, #tpu.memory_space<vmem>>, vector<16xi32>,
        %swap3A_1001 = vector.shape_cast %swap3A_1000 : vector<16xi32> to vector<16xi32>
        %swap3A_1002 = vector.shape_cast %shift_right_logical3A_998 : vector<16xi32> to vector<16xi32>
        tpu.vector_store %arg5[%swap3A_999], %swap3A_1002 {strides = array<i32>} : memref<8192xi32, #tpu.memory_space<vmem>>, vector<16xi32>,
        %mul3A_1003 = arith.constant 256 : i32
        %mul3A_1004 = arith.muli %add3A_820, %mul3A_1003 : i32
        %add3A_1005 = arith.constant 208 : i32
        %add3A_1006 = arith.addi %mul3A_1004, %add3A_1005 : i32
        %get3A_1007 = arith.index_cast %add3A_1006 : i32 to index
        %get3A_1008 = tpu.vector_load %arg5[%get3A_1007] {strides = array<i32>} : memref<8192xi32, #tpu.memory_space<vmem>>, vector<16xi32>,
        %get3A_1009 = vector.shape_cast %get3A_1008 : vector<16xi32> to vector<16xi32>
        %shift_right_logical3A_1010 = arith.constant 3 : i32
        %shift_right_logical3A_1011 = vector.broadcast %shift_right_logical3A_1010 : i32 to vector<16xi32>
        %shift_right_logical3A_1012 = arith.shrui %get3A_1009, %shift_right_logical3A_1011 : vector<16xi32>
        %swap3A_1013 = arith.index_cast %add3A_1006 : i32 to index
        %swap3A_1014 = tpu.vector_load %arg5[%swap3A_1013] {strides = array<i32>} : memref<8192xi32, #tpu.memory_space<vmem>>, vector<16xi32>,
        %swap3A_1015 = vector.shape_cast %swap3A_1014 : vector<16xi32> to vector<16xi32>
        %swap3A_1016 = vector.shape_cast %shift_right_logical3A_1012 : vector<16xi32> to vector<16xi32>
        tpu.vector_store %arg5[%swap3A_1013], %swap3A_1016 {strides = array<i32>} : memref<8192xi32, #tpu.memory_space<vmem>>, vector<16xi32>,
        %mul3A_1017 = arith.constant 256 : i32
        %mul3A_1018 = arith.muli %add3A_820, %mul3A_1017 : i32
        %add3A_1019 = arith.constant 224 : i32
        %add3A_1020 = arith.addi %mul3A_1018, %add3A_1019 : i32
        %get3A_1021 = arith.index_cast %add3A_1020 : i32 to index
        %get3A_1022 = tpu.vector_load %arg5[%get3A_1021] {strides = array<i32>} : memref<8192xi32, #tpu.memory_space<vmem>>, vector<16xi32>,
        %get3A_1023 = vector.shape_cast %get3A_1022 : vector<16xi32> to vector<16xi32>
        %shift_right_logical3A_1024 = arith.constant 3 : i32
        %shift_right_logical3A_1025 = vector.broadcast %shift_right_logical3A_1024 : i32 to vector<16xi32>
        %shift_right_logical3A_1026 = arith.shrui %get3A_1023, %shift_right_logical3A_1025 : vector<16xi32>
        %swap3A_1027 = arith.index_cast %add3A_1020 : i32 to index
        %swap3A_1028 = tpu.vector_load %arg5[%swap3A_1027] {strides = array<i32>} : memref<8192xi32, #tpu.memory_space<vmem>>, vector<16xi32>,
        %swap3A_1029 = vector.shape_cast %swap3A_1028 : vector<16xi32> to vector<16xi32>
        %swap3A_1030 = vector.shape_cast %shift_right_logical3A_1026 : vector<16xi32> to vector<16xi32>
        tpu.vector_store %arg5[%swap3A_1027], %swap3A_1030 {strides = array<i32>} : memref<8192xi32, #tpu.memory_space<vmem>>, vector<16xi32>,
        %mul3A_1031 = arith.constant 256 : i32
        %mul3A_1032 = arith.muli %add3A_820, %mul3A_1031 : i32
        %add3A_1033 = arith.constant 240 : i32
        %add3A_1034 = arith.addi %mul3A_1032, %add3A_1033 : i32
        %get3A_1035 = arith.index_cast %add3A_1034 : i32 to index
        %get3A_1036 = tpu.vector_load %arg5[%get3A_1035] {strides = array<i32>} : memref<8192xi32, #tpu.memory_space<vmem>>, vector<16xi32>,
        %get3A_1037 = vector.shape_cast %get3A_1036 : vector<16xi32> to vector<16xi32>
        %shift_right_logical3A_1038 = arith.constant 3 : i32
        %shift_right_logical3A_1039 = vector.broadcast %shift_right_logical3A_1038 : i32 to vector<16xi32>
        %shift_right_logical3A_1040 = arith.shrui %get3A_1037, %shift_right_logical3A_1039 : vector<16xi32>
        %swap3A_1041 = arith.index_cast %add3A_1034 : i32 to index
        %swap3A_1042 = tpu.vector_load %arg5[%swap3A_1041] {strides = array<i32>} : memref<8192xi32, #tpu.memory_space<vmem>>, vector<16xi32>,
        %swap3A_1043 = vector.shape_cast %swap3A_1042 : vector<16xi32> to vector<16xi32>
        %swap3A_1044 = vector.shape_cast %shift_right_logical3A_1040 : vector<16xi32> to vector<16xi32>
        tpu.vector_store %arg5[%swap3A_1041], %swap3A_1044 {strides = array<i32>} : memref<8192xi32, #tpu.memory_space<vmem>>, vector<16xi32>,
        %add3A_1045 = arith.constant 3 : i32
        %add3A_1046 = arith.addi %add3A_706, %add3A_1045 : i32
        %mul3A_1047 = arith.constant 256 : i32
        %mul3A_1048 = arith.muli %add3A_1046, %mul3A_1047 : i32
        %add3A_1049 = arith.constant 0 : i32
        %add3A_1050 = arith.addi %mul3A_1048, %add3A_1049 : i32
        %dma_start3A_1051 = arith.constant 0 : i32
        %dma_start3A_1052 = arith.constant 0 : i32
        %dma_start3A_1053 = tpu.memref_slice %arg7[%dma_start3A_1051, %dma_start3A_1052] : memref<256x128xf32, #tpu.memory_space<vmem>> -> memref<64x128xf32, #tpu.memory_space<vmem>>
        %dma_start3A_1054 = tpu.memref_slice %arg5[%add3A_1050] : memref<8192xi32, #tpu.memory_space<vmem>> -> memref<64xi32, #tpu.memory_space<vmem>>
        %dma_start3A_1055 = arith.constant 0 : i32
        %dma_start3A_1056 = arith.constant 0 : i32
        %dma_start3A_1057 = tpu.memref_slice %arg2[%dma_start3A_1055, %dma_start3A_1056] : memref<65536x128xf32, #tpu.memory_space<hbm>> -> memref<65536x128xf32, #tpu.memory_space<hbm>>
        tpu.enqueue_indirect_dma source(%dma_start3A_1057 : memref<65536x128xf32, #tpu.memory_space<hbm>>) target(%dma_start3A_1053 : memref<64x128xf32, #tpu.memory_space<vmem>>) offsets(%dma_start3A_1054 : memref<64xi32, #tpu.memory_space<vmem>>) semaphore(%arg10 : memref<!tpu.dma_semaphore, #tpu.memory_space<semaphore_mem>>)
        %mul3A_1058 = arith.constant 256 : i32
        %mul3A_1059 = arith.muli %add3A_1046, %mul3A_1058 : i32
        %add3A_1060 = arith.constant 64 : i32
        %add3A_1061 = arith.addi %mul3A_1059, %add3A_1060 : i32
        %dma_start3A_1062 = arith.constant 64 : i32
        %dma_start3A_1063 = arith.constant 0 : i32
        %dma_start3A_1064 = tpu.memref_slice %arg7[%dma_start3A_1062, %dma_start3A_1063] : memref<256x128xf32, #tpu.memory_space<vmem>> -> memref<64x128xf32, #tpu.memory_space<vmem>>
        %dma_start3A_1065 = tpu.memref_slice %arg5[%add3A_1061] : memref<8192xi32, #tpu.memory_space<vmem>> -> memref<64xi32, #tpu.memory_space<vmem>>
        %dma_start3A_1066 = arith.constant 0 : i32
        %dma_start3A_1067 = arith.constant 0 : i32
        %dma_start3A_1068 = tpu.memref_slice %arg2[%dma_start3A_1066, %dma_start3A_1067] : memref<65536x128xf32, #tpu.memory_space<hbm>> -> memref<65536x128xf32, #tpu.memory_space<hbm>>
        tpu.enqueue_indirect_dma source(%dma_start3A_1068 : memref<65536x128xf32, #tpu.memory_space<hbm>>) target(%dma_start3A_1064 : memref<64x128xf32, #tpu.memory_space<vmem>>) offsets(%dma_start3A_1065 : memref<64xi32, #tpu.memory_space<vmem>>) semaphore(%arg10 : memref<!tpu.dma_semaphore, #tpu.memory_space<semaphore_mem>>)
        %mul3A_1069 = arith.constant 256 : i32
        %mul3A_1070 = arith.muli %add3A_1046, %mul3A_1069 : i32
        %add3A_1071 = arith.constant 128 : i32
        %add3A_1072 = arith.addi %mul3A_1070, %add3A_1071 : i32
        %dma_start3A_1073 = arith.constant 128 : i32
        %dma_start3A_1074 = arith.constant 0 : i32
        %dma_start3A_1075 = tpu.memref_slice %arg7[%dma_start3A_1073, %dma_start3A_1074] : memref<256x128xf32, #tpu.memory_space<vmem>> -> memref<64x128xf32, #tpu.memory_space<vmem>>
        %dma_start3A_1076 = tpu.memref_slice %arg5[%add3A_1072] : memref<8192xi32, #tpu.memory_space<vmem>> -> memref<64xi32, #tpu.memory_space<vmem>>
        %dma_start3A_1077 = arith.constant 0 : i32
        %dma_start3A_1078 = arith.constant 0 : i32
        %dma_start3A_1079 = tpu.memref_slice %arg2[%dma_start3A_1077, %dma_start3A_1078] : memref<65536x128xf32, #tpu.memory_space<hbm>> -> memref<65536x128xf32, #tpu.memory_space<hbm>>
        tpu.enqueue_indirect_dma source(%dma_start3A_1079 : memref<65536x128xf32, #tpu.memory_space<hbm>>) target(%dma_start3A_1075 : memref<64x128xf32, #tpu.memory_space<vmem>>) offsets(%dma_start3A_1076 : memref<64xi32, #tpu.memory_space<vmem>>) semaphore(%arg10 : memref<!tpu.dma_semaphore, #tpu.memory_space<semaphore_mem>>)
        %mul3A_1080 = arith.constant 256 : i32
        %mul3A_1081 = arith.muli %add3A_1046, %mul3A_1080 : i32
        %add3A_1082 = arith.constant 192 : i32
        %add3A_1083 = arith.addi %mul3A_1081, %add3A_1082 : i32
        %dma_start3A_1084 = arith.constant 192 : i32
        %dma_start3A_1085 = arith.constant 0 : i32
        %dma_start3A_1086 = tpu.memref_slice %arg7[%dma_start3A_1084, %dma_start3A_1085] : memref<256x128xf32, #tpu.memory_space<vmem>> -> memref<64x128xf32, #tpu.memory_space<vmem>>
        %dma_start3A_1087 = tpu.memref_slice %arg5[%add3A_1083] : memref<8192xi32, #tpu.memory_space<vmem>> -> memref<64xi32, #tpu.memory_space<vmem>>
        %dma_start3A_1088 = arith.constant 0 : i32
        %dma_start3A_1089 = arith.constant 0 : i32
        %dma_start3A_1090 = tpu.memref_slice %arg2[%dma_start3A_1088, %dma_start3A_1089] : memref<65536x128xf32, #tpu.memory_space<hbm>> -> memref<65536x128xf32, #tpu.memory_space<hbm>>
        tpu.enqueue_indirect_dma source(%dma_start3A_1090 : memref<65536x128xf32, #tpu.memory_space<hbm>>) target(%dma_start3A_1086 : memref<64x128xf32, #tpu.memory_space<vmem>>) offsets(%dma_start3A_1087 : memref<64xi32, #tpu.memory_space<vmem>>) semaphore(%arg10 : memref<!tpu.dma_semaphore, #tpu.memory_space<semaphore_mem>>)
      } else {
      }
      %mul3A_761 = arith.constant 3 : i32
      %mul3A_762 = arith.muli %scan3A_647, %mul3A_761 : i32
      %add3A_763 = arith.constant 2 : i32
      %add3A_764 = arith.addi %mul3A_762, %add3A_763 : i32
      %mul3A_765 = arith.constant 256 : i32
      %mul3A_766 = arith.muli %add3A_764, %mul3A_765 : i32
      %add3A_767 = arith.constant 0 : i32
      %add3A_768 = arith.addi %mul3A_766, %add3A_767 : i32
      %dma_wait3A_769 = arith.constant 0 : i32
      %dma_wait3A_770 = arith.constant 0 : i32
      %dma_wait3A_771 = tpu.memref_slice %arg8[%dma_wait3A_769, %dma_wait3A_770] : memref<256x128xf32, #tpu.memory_space<vmem>> -> memref<64x128xf32, #tpu.memory_space<vmem>>
      %dma_wait3A_772 = tpu.memref_slice %arg5[%add3A_768] : memref<8192xi32, #tpu.memory_space<vmem>> -> memref<64xi32, #tpu.memory_space<vmem>>
      %dma_wait3A_773 = arith.constant 0 : i32
      %dma_wait3A_774 = arith.constant 0 : i32
      %dma_wait3A_775 = tpu.memref_slice %arg2[%dma_wait3A_773, %dma_wait3A_774] : memref<65536x128xf32, #tpu.memory_space<hbm>> -> memref<65536x128xf32, #tpu.memory_space<hbm>>
      tpu.wait_indirect_dma semaphore(%arg11 : memref<!tpu.dma_semaphore, #tpu.memory_space<semaphore_mem>>) src(%dma_wait3A_775 : memref<65536x128xf32, #tpu.memory_space<hbm>>) dst(%dma_wait3A_771 : memref<64x128xf32, #tpu.memory_space<vmem>>)
      %mul3A_776 = arith.constant 256 : i32
      %mul3A_777 = arith.muli %add3A_764, %mul3A_776 : i32
      %add3A_778 = arith.constant 64 : i32
      %add3A_779 = arith.addi %mul3A_777, %add3A_778 : i32
      %dma_wait3A_780 = arith.constant 64 : i32
      %dma_wait3A_781 = arith.constant 0 : i32
      %dma_wait3A_782 = tpu.memref_slice %arg8[%dma_wait3A_780, %dma_wait3A_781] : memref<256x128xf32, #tpu.memory_space<vmem>> -> memref<64x128xf32, #tpu.memory_space<vmem>>
      %dma_wait3A_783 = tpu.memref_slice %arg5[%add3A_779] : memref<8192xi32, #tpu.memory_space<vmem>> -> memref<64xi32, #tpu.memory_space<vmem>>
      %dma_wait3A_784 = arith.constant 0 : i32
      %dma_wait3A_785 = arith.constant 0 : i32
      %dma_wait3A_786 = tpu.memref_slice %arg2[%dma_wait3A_784, %dma_wait3A_785] : memref<65536x128xf32, #tpu.memory_space<hbm>> -> memref<65536x128xf32, #tpu.memory_space<hbm>>
      tpu.wait_indirect_dma semaphore(%arg11 : memref<!tpu.dma_semaphore, #tpu.memory_space<semaphore_mem>>) src(%dma_wait3A_786 : memref<65536x128xf32, #tpu.memory_space<hbm>>) dst(%dma_wait3A_782 : memref<64x128xf32, #tpu.memory_space<vmem>>)
      %mul3A_787 = arith.constant 256 : i32
      %mul3A_788 = arith.muli %add3A_764, %mul3A_787 : i32
      %add3A_789 = arith.constant 128 : i32
      %add3A_790 = arith.addi %mul3A_788, %add3A_789 : i32
      %dma_wait3A_791 = arith.constant 128 : i32
      %dma_wait3A_792 = arith.constant 0 : i32
      %dma_wait3A_793 = tpu.memref_slice %arg8[%dma_wait3A_791, %dma_wait3A_792] : memref<256x128xf32, #tpu.memory_space<vmem>> -> memref<64x128xf32, #tpu.memory_space<vmem>>
      %dma_wait3A_794 = tpu.memref_slice %arg5[%add3A_790] : memref<8192xi32, #tpu.memory_space<vmem>> -> memref<64xi32, #tpu.memory_space<vmem>>
      %dma_wait3A_795 = arith.constant 0 : i32
      %dma_wait3A_796 = arith.constant 0 : i32
      %dma_wait3A_797 = tpu.memref_slice %arg2[%dma_wait3A_795, %dma_wait3A_796] : memref<65536x128xf32, #tpu.memory_space<hbm>> -> memref<65536x128xf32, #tpu.memory_space<hbm>>
      tpu.wait_indirect_dma semaphore(%arg11 : memref<!tpu.dma_semaphore, #tpu.memory_space<semaphore_mem>>) src(%dma_wait3A_797 : memref<65536x128xf32, #tpu.memory_space<hbm>>) dst(%dma_wait3A_793 : memref<64x128xf32, #tpu.memory_space<vmem>>)
      %mul3A_798 = arith.constant 256 : i32
      %mul3A_799 = arith.muli %add3A_764, %mul3A_798 : i32
      %add3A_800 = arith.constant 192 : i32
      %add3A_801 = arith.addi %mul3A_799, %add3A_800 : i32
      %dma_wait3A_802 = arith.constant 192 : i32
      %dma_wait3A_803 = arith.constant 0 : i32
      %dma_wait3A_804 = tpu.memref_slice %arg8[%dma_wait3A_802, %dma_wait3A_803] : memref<256x128xf32, #tpu.memory_space<vmem>> -> memref<64x128xf32, #tpu.memory_space<vmem>>
      %dma_wait3A_805 = tpu.memref_slice %arg5[%add3A_801] : memref<8192xi32, #tpu.memory_space<vmem>> -> memref<64xi32, #tpu.memory_space<vmem>>
      %dma_wait3A_806 = arith.constant 0 : i32
      %dma_wait3A_807 = arith.constant 0 : i32
      %dma_wait3A_808 = tpu.memref_slice %arg2[%dma_wait3A_806, %dma_wait3A_807] : memref<65536x128xf32, #tpu.memory_space<hbm>> -> memref<65536x128xf32, #tpu.memory_space<hbm>>
      tpu.wait_indirect_dma semaphore(%arg11 : memref<!tpu.dma_semaphore, #tpu.memory_space<semaphore_mem>>) src(%dma_wait3A_808 : memref<65536x128xf32, #tpu.memory_space<hbm>>) dst(%dma_wait3A_804 : memref<64x128xf32, #tpu.memory_space<vmem>>)
      %mul3A_809 = arith.constant 256 : i32
      %mul3A_810 = arith.muli %add3A_764, %mul3A_809 : i32
      %add3A_811 = arith.addi %mul3A_2, %mul3A_810 : i32
      "tpu.region"() ({
        %run_scoped3A = tpu.sem_alloc : memref<!tpu.dma_semaphore, #tpu.memory_space<semaphore_mem>>
        %dma_start3A_819 = arith.constant 0 : i32
        %dma_start3A_820 = tpu.memref_slice %arg4[%add3A_811, %dma_start3A_819] : memref<262144x128xf32, #tpu.memory_space<hbm>> -> memref<256x128xf32, #tpu.memory_space<hbm>>
        %dma_start3A_821 = arith.constant 0 : i32
        %dma_start3A_822 = tpu.memref_slice %arg4[%add3A_811, %dma_start3A_821] : memref<262144x128xf32, #tpu.memory_space<hbm>> -> memref<256x128xf32, #tpu.memory_space<hbm>>
        tpu.enqueue_dma source(%arg8 : memref<256x128xf32, #tpu.memory_space<vmem>>) target(%dma_start3A_822 : memref<256x128xf32, #tpu.memory_space<hbm>>) target_semaphore(%run_scoped3A : memref<!tpu.dma_semaphore, #tpu.memory_space<semaphore_mem>>)
        %dma_wait3A_823 = arith.constant 0 : i32
        %dma_wait3A_824 = tpu.memref_slice %arg4[%add3A_811, %dma_wait3A_823] : memref<262144x128xf32, #tpu.memory_space<hbm>> -> memref<256x128xf32, #tpu.memory_space<hbm>>
        %dma_wait3A_825 = arith.constant 0 : i32
        %dma_wait3A_826 = tpu.memref_slice %arg4[%add3A_811, %dma_wait3A_825] : memref<262144x128xf32, #tpu.memory_space<hbm>> -> memref<256x128xf32, #tpu.memory_space<hbm>>
        tpu.wait_dma2 semaphore(%run_scoped3A : memref<!tpu.dma_semaphore, #tpu.memory_space<semaphore_mem>>) src(%arg8 : memref<256x128xf32, #tpu.memory_space<vmem>>) dst(%dma_wait3A_826 : memref<256x128xf32, #tpu.memory_space<hbm>>)
        tpu.yield
      }) : () -> ()
      %add3A_812 = arith.constant 3 : i32
      %add3A_813 = arith.addi %add3A_764, %add3A_812 : i32
      %lt3A_814 = arith.constant 32 : i32
      %lt3A_815 = arith.cmpi slt, %add3A_813, %lt3A_814 : i32
      %convert_element_type3A_816 = arith.extui %lt3A_815 : i1 to i32
      %cond3A_817 = arith.constant 0 : i32
      %cond3A_818 = arith.cmpi ne, %convert_element_type3A_816, %cond3A_817 : i32
      scf.if %cond3A_818 {
        %add3A_819 = arith.constant 3 : i32
        %add3A_820 = arith.addi %add3A_764, %add3A_819 : i32
        %mul3A_821 = arith.constant 256 : i32
        %mul3A_822 = arith.muli %add3A_820, %mul3A_821 : i32
        %add3A_823 = arith.constant 0 : i32
        %add3A_824 = arith.addi %mul3A_822, %add3A_823 : i32
        %get3A_825 = arith.index_cast %add3A_824 : i32 to index
        %get3A_826 = tpu.vector_load %arg5[%get3A_825] {strides = array<i32>} : memref<8192xi32, #tpu.memory_space<vmem>>, vector<16xi32>,
        %get3A_827 = vector.shape_cast %get3A_826 : vector<16xi32> to vector<16xi32>
        %shift_right_logical3A_828 = arith.constant 3 : i32
        %shift_right_logical3A_829 = vector.broadcast %shift_right_logical3A_828 : i32 to vector<16xi32>
        %shift_right_logical3A_830 = arith.shrui %get3A_827, %shift_right_logical3A_829 : vector<16xi32>
        %swap3A_831 = arith.index_cast %add3A_824 : i32 to index
        %swap3A_832 = tpu.vector_load %arg5[%swap3A_831] {strides = array<i32>} : memref<8192xi32, #tpu.memory_space<vmem>>, vector<16xi32>,
        %swap3A_833 = vector.shape_cast %swap3A_832 : vector<16xi32> to vector<16xi32>
        %swap3A_834 = vector.shape_cast %shift_right_logical3A_830 : vector<16xi32> to vector<16xi32>
        tpu.vector_store %arg5[%swap3A_831], %swap3A_834 {strides = array<i32>} : memref<8192xi32, #tpu.memory_space<vmem>>, vector<16xi32>,
        %mul3A_835 = arith.constant 256 : i32
        %mul3A_836 = arith.muli %add3A_820, %mul3A_835 : i32
        %add3A_837 = arith.constant 16 : i32
        %add3A_838 = arith.addi %mul3A_836, %add3A_837 : i32
        %get3A_839 = arith.index_cast %add3A_838 : i32 to index
        %get3A_840 = tpu.vector_load %arg5[%get3A_839] {strides = array<i32>} : memref<8192xi32, #tpu.memory_space<vmem>>, vector<16xi32>,
        %get3A_841 = vector.shape_cast %get3A_840 : vector<16xi32> to vector<16xi32>
        %shift_right_logical3A_842 = arith.constant 3 : i32
        %shift_right_logical3A_843 = vector.broadcast %shift_right_logical3A_842 : i32 to vector<16xi32>
        %shift_right_logical3A_844 = arith.shrui %get3A_841, %shift_right_logical3A_843 : vector<16xi32>
        %swap3A_845 = arith.index_cast %add3A_838 : i32 to index
        %swap3A_846 = tpu.vector_load %arg5[%swap3A_845] {strides = array<i32>} : memref<8192xi32, #tpu.memory_space<vmem>>, vector<16xi32>,
        %swap3A_847 = vector.shape_cast %swap3A_846 : vector<16xi32> to vector<16xi32>
        %swap3A_848 = vector.shape_cast %shift_right_logical3A_844 : vector<16xi32> to vector<16xi32>
        tpu.vector_store %arg5[%swap3A_845], %swap3A_848 {strides = array<i32>} : memref<8192xi32, #tpu.memory_space<vmem>>, vector<16xi32>,
        %mul3A_849 = arith.constant 256 : i32
        %mul3A_850 = arith.muli %add3A_820, %mul3A_849 : i32
        %add3A_851 = arith.constant 32 : i32
        %add3A_852 = arith.addi %mul3A_850, %add3A_851 : i32
        %get3A_853 = arith.index_cast %add3A_852 : i32 to index
        %get3A_854 = tpu.vector_load %arg5[%get3A_853] {strides = array<i32>} : memref<8192xi32, #tpu.memory_space<vmem>>, vector<16xi32>,
        %get3A_855 = vector.shape_cast %get3A_854 : vector<16xi32> to vector<16xi32>
        %shift_right_logical3A_856 = arith.constant 3 : i32
        %shift_right_logical3A_857 = vector.broadcast %shift_right_logical3A_856 : i32 to vector<16xi32>
        %shift_right_logical3A_858 = arith.shrui %get3A_855, %shift_right_logical3A_857 : vector<16xi32>
        %swap3A_859 = arith.index_cast %add3A_852 : i32 to index
        %swap3A_860 = tpu.vector_load %arg5[%swap3A_859] {strides = array<i32>} : memref<8192xi32, #tpu.memory_space<vmem>>, vector<16xi32>,
        %swap3A_861 = vector.shape_cast %swap3A_860 : vector<16xi32> to vector<16xi32>
        %swap3A_862 = vector.shape_cast %shift_right_logical3A_858 : vector<16xi32> to vector<16xi32>
        tpu.vector_store %arg5[%swap3A_859], %swap3A_862 {strides = array<i32>} : memref<8192xi32, #tpu.memory_space<vmem>>, vector<16xi32>,
        %mul3A_863 = arith.constant 256 : i32
        %mul3A_864 = arith.muli %add3A_820, %mul3A_863 : i32
        %add3A_865 = arith.constant 48 : i32
        %add3A_866 = arith.addi %mul3A_864, %add3A_865 : i32
        %get3A_867 = arith.index_cast %add3A_866 : i32 to index
        %get3A_868 = tpu.vector_load %arg5[%get3A_867] {strides = array<i32>} : memref<8192xi32, #tpu.memory_space<vmem>>, vector<16xi32>,
        %get3A_869 = vector.shape_cast %get3A_868 : vector<16xi32> to vector<16xi32>
        %shift_right_logical3A_870 = arith.constant 3 : i32
        %shift_right_logical3A_871 = vector.broadcast %shift_right_logical3A_870 : i32 to vector<16xi32>
        %shift_right_logical3A_872 = arith.shrui %get3A_869, %shift_right_logical3A_871 : vector<16xi32>
        %swap3A_873 = arith.index_cast %add3A_866 : i32 to index
        %swap3A_874 = tpu.vector_load %arg5[%swap3A_873] {strides = array<i32>} : memref<8192xi32, #tpu.memory_space<vmem>>, vector<16xi32>,
        %swap3A_875 = vector.shape_cast %swap3A_874 : vector<16xi32> to vector<16xi32>
        %swap3A_876 = vector.shape_cast %shift_right_logical3A_872 : vector<16xi32> to vector<16xi32>
        tpu.vector_store %arg5[%swap3A_873], %swap3A_876 {strides = array<i32>} : memref<8192xi32, #tpu.memory_space<vmem>>, vector<16xi32>,
        %mul3A_877 = arith.constant 256 : i32
        %mul3A_878 = arith.muli %add3A_820, %mul3A_877 : i32
        %add3A_879 = arith.constant 64 : i32
        %add3A_880 = arith.addi %mul3A_878, %add3A_879 : i32
        %get3A_881 = arith.index_cast %add3A_880 : i32 to index
        %get3A_882 = tpu.vector_load %arg5[%get3A_881] {strides = array<i32>} : memref<8192xi32, #tpu.memory_space<vmem>>, vector<16xi32>,
        %get3A_883 = vector.shape_cast %get3A_882 : vector<16xi32> to vector<16xi32>
        %shift_right_logical3A_884 = arith.constant 3 : i32
        %shift_right_logical3A_885 = vector.broadcast %shift_right_logical3A_884 : i32 to vector<16xi32>
        %shift_right_logical3A_886 = arith.shrui %get3A_883, %shift_right_logical3A_885 : vector<16xi32>
        %swap3A_887 = arith.index_cast %add3A_880 : i32 to index
        %swap3A_888 = tpu.vector_load %arg5[%swap3A_887] {strides = array<i32>} : memref<8192xi32, #tpu.memory_space<vmem>>, vector<16xi32>,
        %swap3A_889 = vector.shape_cast %swap3A_888 : vector<16xi32> to vector<16xi32>
        %swap3A_890 = vector.shape_cast %shift_right_logical3A_886 : vector<16xi32> to vector<16xi32>
        tpu.vector_store %arg5[%swap3A_887], %swap3A_890 {strides = array<i32>} : memref<8192xi32, #tpu.memory_space<vmem>>, vector<16xi32>,
        %mul3A_891 = arith.constant 256 : i32
        %mul3A_892 = arith.muli %add3A_820, %mul3A_891 : i32
        %add3A_893 = arith.constant 80 : i32
        %add3A_894 = arith.addi %mul3A_892, %add3A_893 : i32
        %get3A_895 = arith.index_cast %add3A_894 : i32 to index
        %get3A_896 = tpu.vector_load %arg5[%get3A_895] {strides = array<i32>} : memref<8192xi32, #tpu.memory_space<vmem>>, vector<16xi32>,
        %get3A_897 = vector.shape_cast %get3A_896 : vector<16xi32> to vector<16xi32>
        %shift_right_logical3A_898 = arith.constant 3 : i32
        %shift_right_logical3A_899 = vector.broadcast %shift_right_logical3A_898 : i32 to vector<16xi32>
        %shift_right_logical3A_900 = arith.shrui %get3A_897, %shift_right_logical3A_899 : vector<16xi32>
        %swap3A_901 = arith.index_cast %add3A_894 : i32 to index
        %swap3A_902 = tpu.vector_load %arg5[%swap3A_901] {strides = array<i32>} : memref<8192xi32, #tpu.memory_space<vmem>>, vector<16xi32>,
        %swap3A_903 = vector.shape_cast %swap3A_902 : vector<16xi32> to vector<16xi32>
        %swap3A_904 = vector.shape_cast %shift_right_logical3A_900 : vector<16xi32> to vector<16xi32>
        tpu.vector_store %arg5[%swap3A_901], %swap3A_904 {strides = array<i32>} : memref<8192xi32, #tpu.memory_space<vmem>>, vector<16xi32>,
        %mul3A_905 = arith.constant 256 : i32
        %mul3A_906 = arith.muli %add3A_820, %mul3A_905 : i32
        %add3A_907 = arith.constant 96 : i32
        %add3A_908 = arith.addi %mul3A_906, %add3A_907 : i32
        %get3A_909 = arith.index_cast %add3A_908 : i32 to index
        %get3A_910 = tpu.vector_load %arg5[%get3A_909] {strides = array<i32>} : memref<8192xi32, #tpu.memory_space<vmem>>, vector<16xi32>,
        %get3A_911 = vector.shape_cast %get3A_910 : vector<16xi32> to vector<16xi32>
        %shift_right_logical3A_912 = arith.constant 3 : i32
        %shift_right_logical3A_913 = vector.broadcast %shift_right_logical3A_912 : i32 to vector<16xi32>
        %shift_right_logical3A_914 = arith.shrui %get3A_911, %shift_right_logical3A_913 : vector<16xi32>
        %swap3A_915 = arith.index_cast %add3A_908 : i32 to index
        %swap3A_916 = tpu.vector_load %arg5[%swap3A_915] {strides = array<i32>} : memref<8192xi32, #tpu.memory_space<vmem>>, vector<16xi32>,
        %swap3A_917 = vector.shape_cast %swap3A_916 : vector<16xi32> to vector<16xi32>
        %swap3A_918 = vector.shape_cast %shift_right_logical3A_914 : vector<16xi32> to vector<16xi32>
        tpu.vector_store %arg5[%swap3A_915], %swap3A_918 {strides = array<i32>} : memref<8192xi32, #tpu.memory_space<vmem>>, vector<16xi32>,
        %mul3A_919 = arith.constant 256 : i32
        %mul3A_920 = arith.muli %add3A_820, %mul3A_919 : i32
        %add3A_921 = arith.constant 112 : i32
        %add3A_922 = arith.addi %mul3A_920, %add3A_921 : i32
        %get3A_923 = arith.index_cast %add3A_922 : i32 to index
        %get3A_924 = tpu.vector_load %arg5[%get3A_923] {strides = array<i32>} : memref<8192xi32, #tpu.memory_space<vmem>>, vector<16xi32>,
        %get3A_925 = vector.shape_cast %get3A_924 : vector<16xi32> to vector<16xi32>
        %shift_right_logical3A_926 = arith.constant 3 : i32
        %shift_right_logical3A_927 = vector.broadcast %shift_right_logical3A_926 : i32 to vector<16xi32>
        %shift_right_logical3A_928 = arith.shrui %get3A_925, %shift_right_logical3A_927 : vector<16xi32>
        %swap3A_929 = arith.index_cast %add3A_922 : i32 to index
        %swap3A_930 = tpu.vector_load %arg5[%swap3A_929] {strides = array<i32>} : memref<8192xi32, #tpu.memory_space<vmem>>, vector<16xi32>,
        %swap3A_931 = vector.shape_cast %swap3A_930 : vector<16xi32> to vector<16xi32>
        %swap3A_932 = vector.shape_cast %shift_right_logical3A_928 : vector<16xi32> to vector<16xi32>
        tpu.vector_store %arg5[%swap3A_929], %swap3A_932 {strides = array<i32>} : memref<8192xi32, #tpu.memory_space<vmem>>, vector<16xi32>,
        %mul3A_933 = arith.constant 256 : i32
        %mul3A_934 = arith.muli %add3A_820, %mul3A_933 : i32
        %add3A_935 = arith.constant 128 : i32
        %add3A_936 = arith.addi %mul3A_934, %add3A_935 : i32
        %get3A_937 = arith.index_cast %add3A_936 : i32 to index
        %get3A_938 = tpu.vector_load %arg5[%get3A_937] {strides = array<i32>} : memref<8192xi32, #tpu.memory_space<vmem>>, vector<16xi32>,
        %get3A_939 = vector.shape_cast %get3A_938 : vector<16xi32> to vector<16xi32>
        %shift_right_logical3A_940 = arith.constant 3 : i32
        %shift_right_logical3A_941 = vector.broadcast %shift_right_logical3A_940 : i32 to vector<16xi32>
        %shift_right_logical3A_942 = arith.shrui %get3A_939, %shift_right_logical3A_941 : vector<16xi32>
        %swap3A_943 = arith.index_cast %add3A_936 : i32 to index
        %swap3A_944 = tpu.vector_load %arg5[%swap3A_943] {strides = array<i32>} : memref<8192xi32, #tpu.memory_space<vmem>>, vector<16xi32>,
        %swap3A_945 = vector.shape_cast %swap3A_944 : vector<16xi32> to vector<16xi32>
        %swap3A_946 = vector.shape_cast %shift_right_logical3A_942 : vector<16xi32> to vector<16xi32>
        tpu.vector_store %arg5[%swap3A_943], %swap3A_946 {strides = array<i32>} : memref<8192xi32, #tpu.memory_space<vmem>>, vector<16xi32>,
        %mul3A_947 = arith.constant 256 : i32
        %mul3A_948 = arith.muli %add3A_820, %mul3A_947 : i32
        %add3A_949 = arith.constant 144 : i32
        %add3A_950 = arith.addi %mul3A_948, %add3A_949 : i32
        %get3A_951 = arith.index_cast %add3A_950 : i32 to index
        %get3A_952 = tpu.vector_load %arg5[%get3A_951] {strides = array<i32>} : memref<8192xi32, #tpu.memory_space<vmem>>, vector<16xi32>,
        %get3A_953 = vector.shape_cast %get3A_952 : vector<16xi32> to vector<16xi32>
        %shift_right_logical3A_954 = arith.constant 3 : i32
        %shift_right_logical3A_955 = vector.broadcast %shift_right_logical3A_954 : i32 to vector<16xi32>
        %shift_right_logical3A_956 = arith.shrui %get3A_953, %shift_right_logical3A_955 : vector<16xi32>
        %swap3A_957 = arith.index_cast %add3A_950 : i32 to index
        %swap3A_958 = tpu.vector_load %arg5[%swap3A_957] {strides = array<i32>} : memref<8192xi32, #tpu.memory_space<vmem>>, vector<16xi32>,
        %swap3A_959 = vector.shape_cast %swap3A_958 : vector<16xi32> to vector<16xi32>
        %swap3A_960 = vector.shape_cast %shift_right_logical3A_956 : vector<16xi32> to vector<16xi32>
        tpu.vector_store %arg5[%swap3A_957], %swap3A_960 {strides = array<i32>} : memref<8192xi32, #tpu.memory_space<vmem>>, vector<16xi32>,
        %mul3A_961 = arith.constant 256 : i32
        %mul3A_962 = arith.muli %add3A_820, %mul3A_961 : i32
        %add3A_963 = arith.constant 160 : i32
        %add3A_964 = arith.addi %mul3A_962, %add3A_963 : i32
        %get3A_965 = arith.index_cast %add3A_964 : i32 to index
        %get3A_966 = tpu.vector_load %arg5[%get3A_965] {strides = array<i32>} : memref<8192xi32, #tpu.memory_space<vmem>>, vector<16xi32>,
        %get3A_967 = vector.shape_cast %get3A_966 : vector<16xi32> to vector<16xi32>
        %shift_right_logical3A_968 = arith.constant 3 : i32
        %shift_right_logical3A_969 = vector.broadcast %shift_right_logical3A_968 : i32 to vector<16xi32>
        %shift_right_logical3A_970 = arith.shrui %get3A_967, %shift_right_logical3A_969 : vector<16xi32>
        %swap3A_971 = arith.index_cast %add3A_964 : i32 to index
        %swap3A_972 = tpu.vector_load %arg5[%swap3A_971] {strides = array<i32>} : memref<8192xi32, #tpu.memory_space<vmem>>, vector<16xi32>,
        %swap3A_973 = vector.shape_cast %swap3A_972 : vector<16xi32> to vector<16xi32>
        %swap3A_974 = vector.shape_cast %shift_right_logical3A_970 : vector<16xi32> to vector<16xi32>
        tpu.vector_store %arg5[%swap3A_971], %swap3A_974 {strides = array<i32>} : memref<8192xi32, #tpu.memory_space<vmem>>, vector<16xi32>,
        %mul3A_975 = arith.constant 256 : i32
        %mul3A_976 = arith.muli %add3A_820, %mul3A_975 : i32
        %add3A_977 = arith.constant 176 : i32
        %add3A_978 = arith.addi %mul3A_976, %add3A_977 : i32
        %get3A_979 = arith.index_cast %add3A_978 : i32 to index
        %get3A_980 = tpu.vector_load %arg5[%get3A_979] {strides = array<i32>} : memref<8192xi32, #tpu.memory_space<vmem>>, vector<16xi32>,
        %get3A_981 = vector.shape_cast %get3A_980 : vector<16xi32> to vector<16xi32>
        %shift_right_logical3A_982 = arith.constant 3 : i32
        %shift_right_logical3A_983 = vector.broadcast %shift_right_logical3A_982 : i32 to vector<16xi32>
        %shift_right_logical3A_984 = arith.shrui %get3A_981, %shift_right_logical3A_983 : vector<16xi32>
        %swap3A_985 = arith.index_cast %add3A_978 : i32 to index
        %swap3A_986 = tpu.vector_load %arg5[%swap3A_985] {strides = array<i32>} : memref<8192xi32, #tpu.memory_space<vmem>>, vector<16xi32>,
        %swap3A_987 = vector.shape_cast %swap3A_986 : vector<16xi32> to vector<16xi32>
        %swap3A_988 = vector.shape_cast %shift_right_logical3A_984 : vector<16xi32> to vector<16xi32>
        tpu.vector_store %arg5[%swap3A_985], %swap3A_988 {strides = array<i32>} : memref<8192xi32, #tpu.memory_space<vmem>>, vector<16xi32>,
        %mul3A_989 = arith.constant 256 : i32
        %mul3A_990 = arith.muli %add3A_820, %mul3A_989 : i32
        %add3A_991 = arith.constant 192 : i32
        %add3A_992 = arith.addi %mul3A_990, %add3A_991 : i32
        %get3A_993 = arith.index_cast %add3A_992 : i32 to index
        %get3A_994 = tpu.vector_load %arg5[%get3A_993] {strides = array<i32>} : memref<8192xi32, #tpu.memory_space<vmem>>, vector<16xi32>,
        %get3A_995 = vector.shape_cast %get3A_994 : vector<16xi32> to vector<16xi32>
        %shift_right_logical3A_996 = arith.constant 3 : i32
        %shift_right_logical3A_997 = vector.broadcast %shift_right_logical3A_996 : i32 to vector<16xi32>
        %shift_right_logical3A_998 = arith.shrui %get3A_995, %shift_right_logical3A_997 : vector<16xi32>
        %swap3A_999 = arith.index_cast %add3A_992 : i32 to index
        %swap3A_1000 = tpu.vector_load %arg5[%swap3A_999] {strides = array<i32>} : memref<8192xi32, #tpu.memory_space<vmem>>, vector<16xi32>,
        %swap3A_1001 = vector.shape_cast %swap3A_1000 : vector<16xi32> to vector<16xi32>
        %swap3A_1002 = vector.shape_cast %shift_right_logical3A_998 : vector<16xi32> to vector<16xi32>
        tpu.vector_store %arg5[%swap3A_999], %swap3A_1002 {strides = array<i32>} : memref<8192xi32, #tpu.memory_space<vmem>>, vector<16xi32>,
        %mul3A_1003 = arith.constant 256 : i32
        %mul3A_1004 = arith.muli %add3A_820, %mul3A_1003 : i32
        %add3A_1005 = arith.constant 208 : i32
        %add3A_1006 = arith.addi %mul3A_1004, %add3A_1005 : i32
        %get3A_1007 = arith.index_cast %add3A_1006 : i32 to index
        %get3A_1008 = tpu.vector_load %arg5[%get3A_1007] {strides = array<i32>} : memref<8192xi32, #tpu.memory_space<vmem>>, vector<16xi32>,
        %get3A_1009 = vector.shape_cast %get3A_1008 : vector<16xi32> to vector<16xi32>
        %shift_right_logical3A_1010 = arith.constant 3 : i32
        %shift_right_logical3A_1011 = vector.broadcast %shift_right_logical3A_1010 : i32 to vector<16xi32>
        %shift_right_logical3A_1012 = arith.shrui %get3A_1009, %shift_right_logical3A_1011 : vector<16xi32>
        %swap3A_1013 = arith.index_cast %add3A_1006 : i32 to index
        %swap3A_1014 = tpu.vector_load %arg5[%swap3A_1013] {strides = array<i32>} : memref<8192xi32, #tpu.memory_space<vmem>>, vector<16xi32>,
        %swap3A_1015 = vector.shape_cast %swap3A_1014 : vector<16xi32> to vector<16xi32>
        %swap3A_1016 = vector.shape_cast %shift_right_logical3A_1012 : vector<16xi32> to vector<16xi32>
        tpu.vector_store %arg5[%swap3A_1013], %swap3A_1016 {strides = array<i32>} : memref<8192xi32, #tpu.memory_space<vmem>>, vector<16xi32>,
        %mul3A_1017 = arith.constant 256 : i32
        %mul3A_1018 = arith.muli %add3A_820, %mul3A_1017 : i32
        %add3A_1019 = arith.constant 224 : i32
        %add3A_1020 = arith.addi %mul3A_1018, %add3A_1019 : i32
        %get3A_1021 = arith.index_cast %add3A_1020 : i32 to index
        %get3A_1022 = tpu.vector_load %arg5[%get3A_1021] {strides = array<i32>} : memref<8192xi32, #tpu.memory_space<vmem>>, vector<16xi32>,
        %get3A_1023 = vector.shape_cast %get3A_1022 : vector<16xi32> to vector<16xi32>
        %shift_right_logical3A_1024 = arith.constant 3 : i32
        %shift_right_logical3A_1025 = vector.broadcast %shift_right_logical3A_1024 : i32 to vector<16xi32>
        %shift_right_logical3A_1026 = arith.shrui %get3A_1023, %shift_right_logical3A_1025 : vector<16xi32>
        %swap3A_1027 = arith.index_cast %add3A_1020 : i32 to index
        %swap3A_1028 = tpu.vector_load %arg5[%swap3A_1027] {strides = array<i32>} : memref<8192xi32, #tpu.memory_space<vmem>>, vector<16xi32>,
        %swap3A_1029 = vector.shape_cast %swap3A_1028 : vector<16xi32> to vector<16xi32>
        %swap3A_1030 = vector.shape_cast %shift_right_logical3A_1026 : vector<16xi32> to vector<16xi32>
        tpu.vector_store %arg5[%swap3A_1027], %swap3A_1030 {strides = array<i32>} : memref<8192xi32, #tpu.memory_space<vmem>>, vector<16xi32>,
        %mul3A_1031 = arith.constant 256 : i32
        %mul3A_1032 = arith.muli %add3A_820, %mul3A_1031 : i32
        %add3A_1033 = arith.constant 240 : i32
        %add3A_1034 = arith.addi %mul3A_1032, %add3A_1033 : i32
        %get3A_1035 = arith.index_cast %add3A_1034 : i32 to index
        %get3A_1036 = tpu.vector_load %arg5[%get3A_1035] {strides = array<i32>} : memref<8192xi32, #tpu.memory_space<vmem>>, vector<16xi32>,
        %get3A_1037 = vector.shape_cast %get3A_1036 : vector<16xi32> to vector<16xi32>
        %shift_right_logical3A_1038 = arith.constant 3 : i32
        %shift_right_logical3A_1039 = vector.broadcast %shift_right_logical3A_1038 : i32 to vector<16xi32>
        %shift_right_logical3A_1040 = arith.shrui %get3A_1037, %shift_right_logical3A_1039 : vector<16xi32>
        %swap3A_1041 = arith.index_cast %add3A_1034 : i32 to index
        %swap3A_1042 = tpu.vector_load %arg5[%swap3A_1041] {strides = array<i32>} : memref<8192xi32, #tpu.memory_space<vmem>>, vector<16xi32>,
        %swap3A_1043 = vector.shape_cast %swap3A_1042 : vector<16xi32> to vector<16xi32>
        %swap3A_1044 = vector.shape_cast %shift_right_logical3A_1040 : vector<16xi32> to vector<16xi32>
        tpu.vector_store %arg5[%swap3A_1041], %swap3A_1044 {strides = array<i32>} : memref<8192xi32, #tpu.memory_space<vmem>>, vector<16xi32>,
        %add3A_1045 = arith.constant 3 : i32
        %add3A_1046 = arith.addi %add3A_764, %add3A_1045 : i32
        %mul3A_1047 = arith.constant 256 : i32
        %mul3A_1048 = arith.muli %add3A_1046, %mul3A_1047 : i32
        %add3A_1049 = arith.constant 0 : i32
        %add3A_1050 = arith.addi %mul3A_1048, %add3A_1049 : i32
        %dma_start3A_1051 = arith.constant 0 : i32
        %dma_start3A_1052 = arith.constant 0 : i32
        %dma_start3A_1053 = tpu.memref_slice %arg8[%dma_start3A_1051, %dma_start3A_1052] : memref<256x128xf32, #tpu.memory_space<vmem>> -> memref<64x128xf32, #tpu.memory_space<vmem>>
        %dma_start3A_1054 = tpu.memref_slice %arg5[%add3A_1050] : memref<8192xi32, #tpu.memory_space<vmem>> -> memref<64xi32, #tpu.memory_space<vmem>>
        %dma_start3A_1055 = arith.constant 0 : i32
        %dma_start3A_1056 = arith.constant 0 : i32
        %dma_start3A_1057 = tpu.memref_slice %arg2[%dma_start3A_1055, %dma_start3A_1056] : memref<65536x128xf32, #tpu.memory_space<hbm>> -> memref<65536x128xf32, #tpu.memory_space<hbm>>
        tpu.enqueue_indirect_dma source(%dma_start3A_1057 : memref<65536x128xf32, #tpu.memory_space<hbm>>) target(%dma_start3A_1053 : memref<64x128xf32, #tpu.memory_space<vmem>>) offsets(%dma_start3A_1054 : memref<64xi32, #tpu.memory_space<vmem>>) semaphore(%arg11 : memref<!tpu.dma_semaphore, #tpu.memory_space<semaphore_mem>>)
        %mul3A_1058 = arith.constant 256 : i32
        %mul3A_1059 = arith.muli %add3A_1046, %mul3A_1058 : i32
        %add3A_1060 = arith.constant 64 : i32
        %add3A_1061 = arith.addi %mul3A_1059, %add3A_1060 : i32
        %dma_start3A_1062 = arith.constant 64 : i32
        %dma_start3A_1063 = arith.constant 0 : i32
        %dma_start3A_1064 = tpu.memref_slice %arg8[%dma_start3A_1062, %dma_start3A_1063] : memref<256x128xf32, #tpu.memory_space<vmem>> -> memref<64x128xf32, #tpu.memory_space<vmem>>
        %dma_start3A_1065 = tpu.memref_slice %arg5[%add3A_1061] : memref<8192xi32, #tpu.memory_space<vmem>> -> memref<64xi32, #tpu.memory_space<vmem>>
        %dma_start3A_1066 = arith.constant 0 : i32
        %dma_start3A_1067 = arith.constant 0 : i32
        %dma_start3A_1068 = tpu.memref_slice %arg2[%dma_start3A_1066, %dma_start3A_1067] : memref<65536x128xf32, #tpu.memory_space<hbm>> -> memref<65536x128xf32, #tpu.memory_space<hbm>>
        tpu.enqueue_indirect_dma source(%dma_start3A_1068 : memref<65536x128xf32, #tpu.memory_space<hbm>>) target(%dma_start3A_1064 : memref<64x128xf32, #tpu.memory_space<vmem>>) offsets(%dma_start3A_1065 : memref<64xi32, #tpu.memory_space<vmem>>) semaphore(%arg11 : memref<!tpu.dma_semaphore, #tpu.memory_space<semaphore_mem>>)
        %mul3A_1069 = arith.constant 256 : i32
        %mul3A_1070 = arith.muli %add3A_1046, %mul3A_1069 : i32
        %add3A_1071 = arith.constant 128 : i32
        %add3A_1072 = arith.addi %mul3A_1070, %add3A_1071 : i32
        %dma_start3A_1073 = arith.constant 128 : i32
        %dma_start3A_1074 = arith.constant 0 : i32
        %dma_start3A_1075 = tpu.memref_slice %arg8[%dma_start3A_1073, %dma_start3A_1074] : memref<256x128xf32, #tpu.memory_space<vmem>> -> memref<64x128xf32, #tpu.memory_space<vmem>>
        %dma_start3A_1076 = tpu.memref_slice %arg5[%add3A_1072] : memref<8192xi32, #tpu.memory_space<vmem>> -> memref<64xi32, #tpu.memory_space<vmem>>
        %dma_start3A_1077 = arith.constant 0 : i32
        %dma_start3A_1078 = arith.constant 0 : i32
        %dma_start3A_1079 = tpu.memref_slice %arg2[%dma_start3A_1077, %dma_start3A_1078] : memref<65536x128xf32, #tpu.memory_space<hbm>> -> memref<65536x128xf32, #tpu.memory_space<hbm>>
        tpu.enqueue_indirect_dma source(%dma_start3A_1079 : memref<65536x128xf32, #tpu.memory_space<hbm>>) target(%dma_start3A_1075 : memref<64x128xf32, #tpu.memory_space<vmem>>) offsets(%dma_start3A_1076 : memref<64xi32, #tpu.memory_space<vmem>>) semaphore(%arg11 : memref<!tpu.dma_semaphore, #tpu.memory_space<semaphore_mem>>)
        %mul3A_1080 = arith.constant 256 : i32
        %mul3A_1081 = arith.muli %add3A_1046, %mul3A_1080 : i32
        %add3A_1082 = arith.constant 192 : i32
        %add3A_1083 = arith.addi %mul3A_1081, %add3A_1082 : i32
        %dma_start3A_1084 = arith.constant 192 : i32
        %dma_start3A_1085 = arith.constant 0 : i32
        %dma_start3A_1086 = tpu.memref_slice %arg8[%dma_start3A_1084, %dma_start3A_1085] : memref<256x128xf32, #tpu.memory_space<vmem>> -> memref<64x128xf32, #tpu.memory_space<vmem>>
        %dma_start3A_1087 = tpu.memref_slice %arg5[%add3A_1083] : memref<8192xi32, #tpu.memory_space<vmem>> -> memref<64xi32, #tpu.memory_space<vmem>>
        %dma_start3A_1088 = arith.constant 0 : i32
        %dma_start3A_1089 = arith.constant 0 : i32
        %dma_start3A_1090 = tpu.memref_slice %arg2[%dma_start3A_1088, %dma_start3A_1089] : memref<65536x128xf32, #tpu.memory_space<hbm>> -> memref<65536x128xf32, #tpu.memory_space<hbm>>
        tpu.enqueue_indirect_dma source(%dma_start3A_1090 : memref<65536x128xf32, #tpu.memory_space<hbm>>) target(%dma_start3A_1086 : memref<64x128xf32, #tpu.memory_space<vmem>>) offsets(%dma_start3A_1087 : memref<64xi32, #tpu.memory_space<vmem>>) semaphore(%arg11 : memref<!tpu.dma_semaphore, #tpu.memory_space<semaphore_mem>>)
      } else {
      }
    }
    %scan3A_579 = arith.constant 10 : i32
    %dma_wait3A = arith.constant 0 : i32
    %dma_wait3A_580 = arith.constant 0 : i32
    %dma_wait3A_581 = tpu.memref_slice %arg6[%dma_wait3A, %dma_wait3A_580] : memref<256x128xf32, #tpu.memory_space<vmem>> -> memref<64x128xf32, #tpu.memory_space<vmem>>
    %dma_wait3A_582 = arith.constant 7680 : i32
    %dma_wait3A_583 = tpu.memref_slice %arg5[%dma_wait3A_582] : memref<8192xi32, #tpu.memory_space<vmem>> -> memref<64xi32, #tpu.memory_space<vmem>>
    %dma_wait3A_584 = arith.constant 0 : i32
    %dma_wait3A_585 = arith.constant 0 : i32
    %dma_wait3A_586 = tpu.memref_slice %arg2[%dma_wait3A_584, %dma_wait3A_585] : memref<65536x128xf32, #tpu.memory_space<hbm>> -> memref<65536x128xf32, #tpu.memory_space<hbm>>
    tpu.wait_indirect_dma semaphore(%arg9 : memref<!tpu.dma_semaphore, #tpu.memory_space<semaphore_mem>>) src(%dma_wait3A_586 : memref<65536x128xf32, #tpu.memory_space<hbm>>) dst(%dma_wait3A_581 : memref<64x128xf32, #tpu.memory_space<vmem>>)
    %dma_wait3A_587 = arith.constant 64 : i32
    %dma_wait3A_588 = arith.constant 0 : i32
    %dma_wait3A_589 = tpu.memref_slice %arg6[%dma_wait3A_587, %dma_wait3A_588] : memref<256x128xf32, #tpu.memory_space<vmem>> -> memref<64x128xf32, #tpu.memory_space<vmem>>
    %dma_wait3A_590 = arith.constant 7744 : i32
    %dma_wait3A_591 = tpu.memref_slice %arg5[%dma_wait3A_590] : memref<8192xi32, #tpu.memory_space<vmem>> -> memref<64xi32, #tpu.memory_space<vmem>>
    %dma_wait3A_592 = arith.constant 0 : i32
    %dma_wait3A_593 = arith.constant 0 : i32
    %dma_wait3A_594 = tpu.memref_slice %arg2[%dma_wait3A_592, %dma_wait3A_593] : memref<65536x128xf32, #tpu.memory_space<hbm>> -> memref<65536x128xf32, #tpu.memory_space<hbm>>
    tpu.wait_indirect_dma semaphore(%arg9 : memref<!tpu.dma_semaphore, #tpu.memory_space<semaphore_mem>>) src(%dma_wait3A_594 : memref<65536x128xf32, #tpu.memory_space<hbm>>) dst(%dma_wait3A_589 : memref<64x128xf32, #tpu.memory_space<vmem>>)
    %dma_wait3A_595 = arith.constant 128 : i32
    %dma_wait3A_596 = arith.constant 0 : i32
    %dma_wait3A_597 = tpu.memref_slice %arg6[%dma_wait3A_595, %dma_wait3A_596] : memref<256x128xf32, #tpu.memory_space<vmem>> -> memref<64x128xf32, #tpu.memory_space<vmem>>
    %dma_wait3A_598 = arith.constant 7808 : i32
    %dma_wait3A_599 = tpu.memref_slice %arg5[%dma_wait3A_598] : memref<8192xi32, #tpu.memory_space<vmem>> -> memref<64xi32, #tpu.memory_space<vmem>>
    %dma_wait3A_600 = arith.constant 0 : i32
    %dma_wait3A_601 = arith.constant 0 : i32
    %dma_wait3A_602 = tpu.memref_slice %arg2[%dma_wait3A_600, %dma_wait3A_601] : memref<65536x128xf32, #tpu.memory_space<hbm>> -> memref<65536x128xf32, #tpu.memory_space<hbm>>
    tpu.wait_indirect_dma semaphore(%arg9 : memref<!tpu.dma_semaphore, #tpu.memory_space<semaphore_mem>>) src(%dma_wait3A_602 : memref<65536x128xf32, #tpu.memory_space<hbm>>) dst(%dma_wait3A_597 : memref<64x128xf32, #tpu.memory_space<vmem>>)
    %dma_wait3A_603 = arith.constant 192 : i32
    %dma_wait3A_604 = arith.constant 0 : i32
    %dma_wait3A_605 = tpu.memref_slice %arg6[%dma_wait3A_603, %dma_wait3A_604] : memref<256x128xf32, #tpu.memory_space<vmem>> -> memref<64x128xf32, #tpu.memory_space<vmem>>
    %dma_wait3A_606 = arith.constant 7872 : i32
    %dma_wait3A_607 = tpu.memref_slice %arg5[%dma_wait3A_606] : memref<8192xi32, #tpu.memory_space<vmem>> -> memref<64xi32, #tpu.memory_space<vmem>>
    %dma_wait3A_608 = arith.constant 0 : i32
    %dma_wait3A_609 = arith.constant 0 : i32
    %dma_wait3A_610 = tpu.memref_slice %arg2[%dma_wait3A_608, %dma_wait3A_609] : memref<65536x128xf32, #tpu.memory_space<hbm>> -> memref<65536x128xf32, #tpu.memory_space<hbm>>
    tpu.wait_indirect_dma semaphore(%arg9 : memref<!tpu.dma_semaphore, #tpu.memory_space<semaphore_mem>>) src(%dma_wait3A_610 : memref<65536x128xf32, #tpu.memory_space<hbm>>) dst(%dma_wait3A_605 : memref<64x128xf32, #tpu.memory_space<vmem>>)
    %add3A_611 = arith.constant 7680 : i32
    %add3A_612 = arith.addi %mul3A_2, %add3A_611 : i32
    "tpu.region"() ({
      %run_scoped3A = tpu.sem_alloc : memref<!tpu.dma_semaphore, #tpu.memory_space<semaphore_mem>>
      %dma_start3A_647 = arith.constant 0 : i32
      %dma_start3A_648 = tpu.memref_slice %arg4[%add3A_612, %dma_start3A_647] : memref<262144x128xf32, #tpu.memory_space<hbm>> -> memref<256x128xf32, #tpu.memory_space<hbm>>
      %dma_start3A_649 = arith.constant 0 : i32
      %dma_start3A_650 = tpu.memref_slice %arg4[%add3A_612, %dma_start3A_649] : memref<262144x128xf32, #tpu.memory_space<hbm>> -> memref<256x128xf32, #tpu.memory_space<hbm>>
      tpu.enqueue_dma source(%arg6 : memref<256x128xf32, #tpu.memory_space<vmem>>) target(%dma_start3A_650 : memref<256x128xf32, #tpu.memory_space<hbm>>) target_semaphore(%run_scoped3A : memref<!tpu.dma_semaphore, #tpu.memory_space<semaphore_mem>>)
      %dma_wait3A_651 = arith.constant 0 : i32
      %dma_wait3A_652 = tpu.memref_slice %arg4[%add3A_612, %dma_wait3A_651] : memref<262144x128xf32, #tpu.memory_space<hbm>> -> memref<256x128xf32, #tpu.memory_space<hbm>>
      %dma_wait3A_653 = arith.constant 0 : i32
      %dma_wait3A_654 = tpu.memref_slice %arg4[%add3A_612, %dma_wait3A_653] : memref<262144x128xf32, #tpu.memory_space<hbm>> -> memref<256x128xf32, #tpu.memory_space<hbm>>
      tpu.wait_dma2 semaphore(%run_scoped3A : memref<!tpu.dma_semaphore, #tpu.memory_space<semaphore_mem>>) src(%arg6 : memref<256x128xf32, #tpu.memory_space<vmem>>) dst(%dma_wait3A_654 : memref<256x128xf32, #tpu.memory_space<hbm>>)
      tpu.yield
    }) : () -> ()
    %dma_wait3A_613 = arith.constant 0 : i32
    %dma_wait3A_614 = arith.constant 0 : i32
    %dma_wait3A_615 = tpu.memref_slice %arg7[%dma_wait3A_613, %dma_wait3A_614] : memref<256x128xf32, #tpu.memory_space<vmem>> -> memref<64x128xf32, #tpu.memory_space<vmem>>
    %dma_wait3A_616 = arith.constant 7936 : i32
    %dma_wait3A_617 = tpu.memref_slice %arg5[%dma_wait3A_616] : memref<8192xi32, #tpu.memory_space<vmem>> -> memref<64xi32, #tpu.memory_space<vmem>>
    %dma_wait3A_618 = arith.constant 0 : i32
    %dma_wait3A_619 = arith.constant 0 : i32
    %dma_wait3A_620 = tpu.memref_slice %arg2[%dma_wait3A_618, %dma_wait3A_619] : memref<65536x128xf32, #tpu.memory_space<hbm>> -> memref<65536x128xf32, #tpu.memory_space<hbm>>
    tpu.wait_indirect_dma semaphore(%arg10 : memref<!tpu.dma_semaphore, #tpu.memory_space<semaphore_mem>>) src(%dma_wait3A_620 : memref<65536x128xf32, #tpu.memory_space<hbm>>) dst(%dma_wait3A_615 : memref<64x128xf32, #tpu.memory_space<vmem>>)
    %dma_wait3A_621 = arith.constant 64 : i32
    %dma_wait3A_622 = arith.constant 0 : i32
    %dma_wait3A_623 = tpu.memref_slice %arg7[%dma_wait3A_621, %dma_wait3A_622] : memref<256x128xf32, #tpu.memory_space<vmem>> -> memref<64x128xf32, #tpu.memory_space<vmem>>
    %dma_wait3A_624 = arith.constant 8000 : i32
    %dma_wait3A_625 = tpu.memref_slice %arg5[%dma_wait3A_624] : memref<8192xi32, #tpu.memory_space<vmem>> -> memref<64xi32, #tpu.memory_space<vmem>>
    %dma_wait3A_626 = arith.constant 0 : i32
    %dma_wait3A_627 = arith.constant 0 : i32
    %dma_wait3A_628 = tpu.memref_slice %arg2[%dma_wait3A_626, %dma_wait3A_627] : memref<65536x128xf32, #tpu.memory_space<hbm>> -> memref<65536x128xf32, #tpu.memory_space<hbm>>
    tpu.wait_indirect_dma semaphore(%arg10 : memref<!tpu.dma_semaphore, #tpu.memory_space<semaphore_mem>>) src(%dma_wait3A_628 : memref<65536x128xf32, #tpu.memory_space<hbm>>) dst(%dma_wait3A_623 : memref<64x128xf32, #tpu.memory_space<vmem>>)
    %dma_wait3A_629 = arith.constant 128 : i32
    %dma_wait3A_630 = arith.constant 0 : i32
    %dma_wait3A_631 = tpu.memref_slice %arg7[%dma_wait3A_629, %dma_wait3A_630] : memref<256x128xf32, #tpu.memory_space<vmem>> -> memref<64x128xf32, #tpu.memory_space<vmem>>
    %dma_wait3A_632 = arith.constant 8064 : i32
    %dma_wait3A_633 = tpu.memref_slice %arg5[%dma_wait3A_632] : memref<8192xi32, #tpu.memory_space<vmem>> -> memref<64xi32, #tpu.memory_space<vmem>>
    %dma_wait3A_634 = arith.constant 0 : i32
    %dma_wait3A_635 = arith.constant 0 : i32
    %dma_wait3A_636 = tpu.memref_slice %arg2[%dma_wait3A_634, %dma_wait3A_635] : memref<65536x128xf32, #tpu.memory_space<hbm>> -> memref<65536x128xf32, #tpu.memory_space<hbm>>
    tpu.wait_indirect_dma semaphore(%arg10 : memref<!tpu.dma_semaphore, #tpu.memory_space<semaphore_mem>>) src(%dma_wait3A_636 : memref<65536x128xf32, #tpu.memory_space<hbm>>) dst(%dma_wait3A_631 : memref<64x128xf32, #tpu.memory_space<vmem>>)
    %dma_wait3A_637 = arith.constant 192 : i32
    %dma_wait3A_638 = arith.constant 0 : i32
    %dma_wait3A_639 = tpu.memref_slice %arg7[%dma_wait3A_637, %dma_wait3A_638] : memref<256x128xf32, #tpu.memory_space<vmem>> -> memref<64x128xf32, #tpu.memory_space<vmem>>
    %dma_wait3A_640 = arith.constant 8128 : i32
    %dma_wait3A_641 = tpu.memref_slice %arg5[%dma_wait3A_640] : memref<8192xi32, #tpu.memory_space<vmem>> -> memref<64xi32, #tpu.memory_space<vmem>>
    %dma_wait3A_642 = arith.constant 0 : i32
    %dma_wait3A_643 = arith.constant 0 : i32
    %dma_wait3A_644 = tpu.memref_slice %arg2[%dma_wait3A_642, %dma_wait3A_643] : memref<65536x128xf32, #tpu.memory_space<hbm>> -> memref<65536x128xf32, #tpu.memory_space<hbm>>
    tpu.wait_indirect_dma semaphore(%arg10 : memref<!tpu.dma_semaphore, #tpu.memory_space<semaphore_mem>>) src(%dma_wait3A_644 : memref<65536x128xf32, #tpu.memory_space<hbm>>) dst(%dma_wait3A_639 : memref<64x128xf32, #tpu.memory_space<vmem>>)
    %add3A_645 = arith.constant 7936 : i32
    %add3A_646 = arith.addi %mul3A_2, %add3A_645 : i32
    "tpu.region"() ({
      %run_scoped3A = tpu.sem_alloc : memref<!tpu.dma_semaphore, #tpu.memory_space<semaphore_mem>>
      %dma_start3A_647 = arith.constant 0 : i32
      %dma_start3A_648 = tpu.memref_slice %arg4[%add3A_646, %dma_start3A_647] : memref<262144x128xf32, #tpu.memory_space<hbm>> -> memref<256x128xf32, #tpu.memory_space<hbm>>
      %dma_start3A_649 = arith.constant 0 : i32
      %dma_start3A_650 = tpu.memref_slice %arg4[%add3A_646, %dma_start3A_649] : memref<262144x128xf32, #tpu.memory_space<hbm>> -> memref<256x128xf32, #tpu.memory_space<hbm>>
      tpu.enqueue_dma source(%arg7 : memref<256x128xf32, #tpu.memory_space<vmem>>) target(%dma_start3A_650 : memref<256x128xf32, #tpu.memory_space<hbm>>) target_semaphore(%run_scoped3A : memref<!tpu.dma_semaphore, #tpu.memory_space<semaphore_mem>>)
      %dma_wait3A_651 = arith.constant 0 : i32
      %dma_wait3A_652 = tpu.memref_slice %arg4[%add3A_646, %dma_wait3A_651] : memref<262144x128xf32, #tpu.memory_space<hbm>> -> memref<256x128xf32, #tpu.memory_space<hbm>>
      %dma_wait3A_653 = arith.constant 0 : i32
      %dma_wait3A_654 = tpu.memref_slice %arg4[%add3A_646, %dma_wait3A_653] : memref<262144x128xf32, #tpu.memory_space<hbm>> -> memref<256x128xf32, #tpu.memory_space<hbm>>
      tpu.wait_dma2 semaphore(%run_scoped3A : memref<!tpu.dma_semaphore, #tpu.memory_space<semaphore_mem>>) src(%arg7 : memref<256x128xf32, #tpu.memory_space<vmem>>) dst(%dma_wait3A_654 : memref<256x128xf32, #tpu.memory_space<hbm>>)
      tpu.yield
    }) : () -> ()
    return
  }
}

</mosaic_0001>

<sc_bundles>
// kernel: kernel.3.cloned.1.call-start
scs
__scs_entry_jumppad:
0x0: {  	(pc) =	sbr.rel $0x88, $3  }
0x1: {  	(tag) =	ssettag $0x0;
	lr =	simm.s32 $0x1  }
0x2: {  	[smem:$0x3F9F] =	sst lr;
	_ =	strace $0xD0000000  }
0x3: {  	_ = 	snop  }
0x4: {  	_ = 	snop  }
0x5: {  	_ = 	snop  }
0x6: {  	_ = 	snop  }
0x7: {  	_ = 	snop  }
__scs_overlays_trampoline_lowered:
0x8: {  	[smem:$0x3FAE] =	sst s0  }
0x9: {  	[smem:$0x3FAF] =	sst s1  }
0xa: {  	[smem:$0x3FB0] =	sst s2  }
0xb: {  	[smem:$0x3FB1] =	sst s3  }
0xc: {  	[smem:$0x3FB2] =	sst s4  }
0xd: {  	[smem:$0x3FB3] =	sst s5  }
0xe: {  	[smem:$0x3FB4] =	sst s6  }
0xf: {  	[smem:$0x3FB5] =	sst s7  }
0x10: {  	[smem:$0x3FB6] =	sst s8  }
0x11: {  	[smem:$0x3FB7] =	sst s9;
	s0 =	simm.s32 @!p0 $0x0  }
0x12: {  	s1 =	sld [smem:$0x3F9D];
	s0 =	simm.s32 @p0 $0x1  }
0x13: {  	[smem:$0x3FB8] =	sst s0;
	s0 =	simm.s32 @!p1 $0x0  }
0x14: {  	s2 =	sld [smem:$0x3F9C];
	s0 =	simm.s32 @p1 $0x1  }
0x15: {  	[smem:$0x3FB9] =	sst s0;
	s0 =	simm.s32 @!p2 $0x0  }
0x16: {  	s3 =	sld [smem:$0x3FDB];
	s0 =	simm.s32 @p2 $0x1  }
0x17: {  	s4 =	simm.s32 $0x1BF5;
	[smem:$0x3FBB] =	sst s0  }
0x18: {  	s0 =	sld [smem:$0x3F9E];
	_ =	swait.ge [sflag:s4], $0x0  }
0x19: {  	s7 =	sld [smem:$0x3F9F]  }
0x1a: {  	s8 =	sadd.s32 $0xFFFFE003, lr  }
0x1b: {  	s9 =	sadd.s32 $0xFFFFFEF7, lr;
	s5 =	simm.s32 $0xFFFFFFFF;
	p2 =	slt.u32 s8, $0xFFFFF086  }
0x1c: {  	p1 =	slt.u32 s9, $0xF7A;
	s5 =	simm.s32 @!p2 $0x0  }
0x1d: {  	s5 =	simm.s32 @p1 $0x1;
	p0 =	seq.s32 s7, s2  }
0x1e: {  	s7 =	smul.u32 @!p0 $0xF7A, s2;
	p2 =	seq.s32 @!p0 s5, $0x0  }
0x1f: {  	s9 =	smul.u32 $0xF7A, s1;
	s8 =	simm.s32 @!p0 $0x1BF5;
	p2 =	por !p2, p0  }
0x20: {  	[sflag:s8] =	ssyncset.s32 @!p0 $0xFFFFF086;
	s6 =	sadd.s32 @!p0 s3, s7;
	s7 =	simm.s32 @!p0 $0x108  }
0x21: {  	s3 =	sadd.s32 s3, s9;
	s6 =	sadd.s32 @!p0 $0x88, s6;
	s7 =	simm.s32 @p2 $0x1082  }
0x22: {  	[simem:s7], [sflag:s8] =	dma.local @!p0 [hbm:s6], $0xF7A  }
0x23: {  	s9 =	sor.u32 $0xD0000000, s2;
	s6 =	simm.s32 $0x108;
	_ =	swait.ge @!p0 [sflag:s8], $0x0  }
0x24: {  	s3 =	sadd.s32 $0x88, s3;
	s6 =	simm.s32 @!p1 $0x1082;
	[sflag:s4] =	ssyncset.s32 $0xFFFFF086  }
0x25: {  	[simem:s6], [sflag:s4] =	dma.local [hbm:s3], $0xF7A  }
0x26: {  	[smem:$0x3F9F] =	sst s1;
	(tag) =	ssettag s2;
	_ =	strace s9  }
0x27: {  	s1 =	sld [smem:$0x3FAF]  }
0x28: {  	s2 =	sld [smem:$0x3FB0]  }
0x29: {  	s4 =	sld [smem:$0x3FB2]  }
0x2a: {  	p0 =	seq.s32 s5, $0x0;
	s5 =	sld [smem:$0x3FB3]  }
0x2b: {  	s6 =	sld [smem:$0x3FB4]  }
0x2c: {  	s7 =	sld [smem:$0x3FB5]  }
0x2d: {  	s3 =	simm.s32 $0x108;
	s8 =	sld [smem:$0x3FB6]  }
0x2e: {  	s3 =	simm.s32 @!p0 $0x1082;
	s9 =	sld [smem:$0x3FB7]  }
0x2f: {  	lr =	sadd.s32 s0, s3;
	s0 =	sld [smem:$0x3FAE]  }
0x30: {  	s3 =	sld [smem:$0x3FB1]  }
0x31: {  	[smem:$0x3FBA] =	sst s10  }
0x32: {  	s10 =	sld [smem:$0x3FB8];
	_ =	sdelay $0x3  }
0x33: {  	p0 =	seq.s32 s10, $0x1;
	s10 =	sld [smem:$0x3FBA];
	_ =	sdelay $0x3  }
0x34: {  	[smem:$0x3FBA] =	sst s10  }
0x35: {  	s10 =	sld [smem:$0x3FB9];
	_ =	sdelay $0x3  }
0x36: {  	p1 =	seq.s32 s10, $0x1;
	s10 =	sld [smem:$0x3FBA];
	_ =	sdelay $0x3  }
0x37: {  	[smem:$0x3FBA] =	sst s10  }
0x38: {  	s10 =	sld [smem:$0x3FBB]  }
0x39: {  	_ = 	snop;
	(pc) =	sbr.ind lr, $3  }
0x3a: {  	_ = 	snop  }
0x3b: {  	_ = 	snop  }
0x3c: {  	p2 =	seq.s32 s10, $0x1;
	s10 =	sld [smem:$0x3FBA]  }
0x3d: {  	_ =	shalt  }
0x3e: {  	_ =	shalt  }
0x3f: {  	_ =	shalt  }
0x40: {  	_ =	shalt  }
0x41: {  	_ =	shalt  }
0x42: {  	_ =	shalt  }
0x43: {  	_ =	shalt  }
0x44: {  	_ =	shalt  }
0x45: {  	_ =	shalt  }
0x46: {  	_ =	shalt  }
0x47: {  	_ =	shalt  }
0x48: {  	_ =	shalt  }
0x49: {  	_ =	shalt  }
0x4a: {  	_ =	shalt  }
0x4b: {  	_ =	shalt  }
0x4c: {  	_ =	shalt  }
0x4d: {  	_ =	shalt  }
0x4e: {  	_ =	shalt  }
0x4f: {  	_ =	shalt  }
0x50: {  	_ =	shalt  }
0x51: {  	_ =	shalt  }
0x52: {  	_ =	shalt  }
0x53: {  	_ =	shalt  }
0x54: {  	_ =	shalt  }
0x55: {  	_ =	shalt  }
0x56: {  	_ =	shalt  }
0x57: {  	_ =	shalt  }
0x58: {  	_ =	shalt  }
0x59: {  	_ =	shalt  }
0x5a: {  	_ =	shalt  }
0x5b: {  	_ =	shalt  }
0x5c: {  	_ =	shalt  }
0x5d: {  	_ =	shalt  }
0x5e: {  	_ =	shalt  }
0x5f: {  	_ =	shalt  }
0x60: {  	_ =	shalt  }
0x61: {  	_ =	shalt  }
0x62: {  	_ =	shalt  }
0x63: {  	_ =	shalt  }
0x64: {  	_ =	shalt  }
0x65: {  	_ =	shalt  }
0x66: {  	_ =	shalt  }
0x67: {  	_ =	shalt  }
0x68: {  	_ =	shalt  }
0x69: {  	_ =	shalt  }
0x6a: {  	_ =	shalt  }
0x6b: {  	_ =	shalt  }
0x6c: {  	_ =	shalt  }
0x6d: {  	_ =	shalt  }
0x6e: {  	_ =	shalt  }
0x6f: {  	_ =	shalt  }
0x70: {  	_ =	shalt  }
0x71: {  	_ =	shalt  }
0x72: {  	_ =	shalt  }
0x73: {  	_ =	shalt  }
0x74: {  	_ =	shalt  }
0x75: {  	_ =	shalt  }
0x76: {  	_ =	shalt  }
0x77: {  	_ =	shalt  }
0x78: {  	_ =	shalt  }
0x79: {  	_ =	shalt  }
0x7a: {  	_ =	shalt  }
0x7b: {  	_ =	shalt  }
0x7c: {  	_ =	shalt  }
0x7d: {  	_ =	shalt  }
0x7e: {  	_ =	shalt  }
0x7f: {  	_ =	shalt  }
0x80: {  	_ =	shalt  }
0x81: {  	_ =	shalt  }
0x82: {  	_ =	shalt  }
0x83: {  	_ =	shalt  }
0x84: {  	_ =	shalt  }
0x85: {  	_ =	shalt  }
0x86: {  	_ =	shalt  }
0x87: {  	_ =	shalt  }
.Lfunc_end0:
.L_simem_size_0:
called_computation_lowered:
.L_overlay_start_0:
0x88: {  	s2 =	sld [smem:$0x3FD9]  }
0x89: {  	s3 =	sld [smem:$0x3FFE];
	_ =	sdelay $0x1  }
0x8a: {  	s1 =	srdreg.scid  }
0x8b: {  	s0 =	sand.u32 $0x1, s1  }
0x8c: {  	s18 =	sshll.u32 s0, $0xA;
	s2 =	sadd.s32 s3, s2  }
0x8d: {  	s2 =	sadd.s32 s2, s18  }
0x8e: {  	[smem:$0x3FC6] =	sst s2  }
0x8f: {  	_ = 	snop  }
0x90: {  	s2 =	sld [smem:$0x3FC9]  }
0x91: {  	s19 =	sld [smem:$0x3FC8]  }
0x92: {  	s4 =	sld [smem:$0x3FD0];
	(tm) =	ssettm $0x1  }
0x93: {  	s5 =	sld [smem:$0x3FFB];
	_ =	sdelay $0x3  }
0x94: {  	_ =	strace s5  }
0x95: {  	s5 =	sld [smem:$0x3FFC];
	_ =	sdelay $0x3  }
0x96: {  	_ =	strace s5  }
0x97: {  	s5 =	sld [smem:$0x3FFD];
	_ =	sdelay $0x3  }
0x98: {  	_ =	strace s5  }
0x99: {  	_ =	strace $0x8FFFFFFF  }
0x9a: {  	s20 =	sld [smem:$0x3FDB];
	_ =	sdelay $0x1  }
0x9b: {  	s6 =	simm.s32 $_scs_section_size  }
0x9c: {  	s7 =	simm.s32 $_size__tile_overlayer_lowered;
	s8 =	simm.s32 $_tile_overlayer_lowered  }
0x9d: {  	s23 =	simm.s32 $0x1BFF;
	s22 =	sshll.u32 s8, $0x1;
	s5 =	sadd.s32 s6, s20  }
0x9e: {  	s9 =	simm.s32 $0x0;
	s21 =	sshll.u32 s7, $0x1;
	s7 =	sadd.s32 s22, s5  }
0x9f: {  	[timem:s9], [sflag:s23] =	dma.local [hbm:s7], s21  }
0xa0: {  	_ =	swait.ge [sflag:s23], s21  }
0xa1: {  	s6 =	ssub.s32 $0x0, s21;
	[sflag:s23] =	ssyncset.done $0x0  }
0xa2: {  	[sflag:s23] =	ssyncadd.s32 s6;
	_ =	sdelay $0x1  }
0xa3: {  	s24 =	simm.s32 $0x1B8B  }
0xa4: {  	_ =	swait.ge [sflag:s24], $0x1  }
0xa5: {  	[sflag:s24] =	ssyncset.done $0x0  }
0xa6: {  	s25 =	simm.s32 $0x1B8E;
	[sflag:s24] =	ssyncadd.s32 $0xFFFFFFFF  }
0xa7: {  	s26 =	simm.s32 $execute0_lowered;
	[smem:$0x3FD2] =	sst s25  }
0xa8: {  	s6 =	sshll.u32 s26, $0x1;
	_ =	strace $0x80000046;
	[dreg:$0x1] =	wrdreg $0xFFFFFFFF  }
0xa9: {  	s28 =	simm.s32 $_size_execute0_lowered;
	s5 =	sadd.s32 s5, s6;
	[dreg:$0x0] =	wrdreg $0x0  }
0xaa: {  	s6 =	sshll.u32 s28, $0x1;
	[dreg:$0x2] =	wrdreg s5  }
0xab: {  	[dreg:$0x3] =	wrdreg s6  }
0xac: {  	[dreg:$0x4] =	wrdreg $0xC0  }
0xad: {  	_ =	task [dreg:s9], $0x5FFFF  }
0xae: {  	[dreg:$0x1] =	wrdreg $0xFFFFFFFF  }
0xaf: {  	[dreg:$0x0] =	wrdreg $0x60  }
0xb0: {  	[dreg:$0x2] =	wrdreg s2  }
0xb1: {  	[dreg:$0x3] =	wrdreg s19  }
0xb2: {  	[dreg:$0x4] =	wrdreg s4  }
0xb3: {  	[dreg:$0x5] =	wrdreg $0x9  }
0xb4: {  	_ =	task.clear_ibuf [dreg:s9], $0x6FFFF;
	_ =	strace $0x90000046  }
0xb5: {  	s29 =	simm.s32 $0x9;
	_ =	strace $0x80000048  }
0xb6: {  	_ =	swait.ge [sflag:s29], $0x1  }
0xb7: {  	[sflag:s29] =	ssyncadd.s32 $0xFFFFFFFF  }
0xb8: {  	_ =	strace $0x90000048  }
0xb9: {  	_ =	sfence  }
0xba: {  	s30 =	sld [smem:$0x0];
	_ =	sdelay $0x2  }
0xbb: {  	s31 =	sshll.u32 s1, $0xD;
	s1 =	sshrl.u32 s1, $0x2  }
0xbc: {  	s3 =	sand.u32 $0x4000, s31;
	s1 =	sadd.s32 s1, s30  }
0xbd: {  	s0 =	sor.u32 s3, s0;
	s1 =	sshll.u32 s1, $0x11  }
0xbe: {  	s0 =	sor.u32 s1, s0  }
0xbf: {  	s0 =	sadd.s32 $0x8F2B, s0  }
0xc0: {  	[sflag:s0] =	ssyncadd.remote.s32 $0x1  }
0xc1: {  	_ =	sfence.sel $0xFFFF  }
0xc2: {  	[dreg:$0x0] =	wrdreg $0xFFFFFFFF;
	(pc) =	sbr.abs _section_cstart, $3  }
0xc3: {  	[dreg:$0x1] =	wrdreg $0xFFFFFFFF  }
0xc4: {  	_ =	task.clear_ibuf [dreg:s9], $0x2FFFF;
	_ =	strace $0x9FFFFFFF  }
0xc5: {  	(tm) =	ssettm $0x7FFFFFFF  }
tec
execute0_lowered:
.L_overlay_start_1:
0x0: {  	(tag) =	ssettag $0x1  }
0x1: {  	s1 =	rddreg [dreg:$0x0]  }
0x2: {  	s0 =	rddreg [dreg:$0x1]  }
0x3: {  	s2 =	rddreg [dreg:$0x2]  }
0x4: {  	s3 =	srdreg.scid;
	s10 =	stileid.u32  }
0x5: {  	s11 =	simm.s32 $0x2000;
	s12 =	simm.s32 $0x4000;
	s14 =	simm.s32 $0x6000  }
0x6: {  	s16 =	simm.s32 $0x8000;
	s18 =	simm.s32 $0xA000;
	s20 =	simm.s32 $0xC000  }
0x7: {  	s22 =	simm.s32 $0xE000;
	s29 =	simm.s32 $0x14000;
	s30 =	simm.s32 $0x280  }
0x8: {  	s31 =	simm.s32 $0x16000;
	s13 =	simm.s32 $0x1;
	s15 =	simm.s32 $0x2  }
0x9: {  	s17 =	simm.s32 $0x3;
	s19 =	simm.s32 $0x0;
	s7 =	sand.u32 $0x1, s3  }
0xa: {  	s3 =	simm.s32 $0x0;
	s4 =	sshll.u32 s10, $0xE;
	s26 =	sshll.u32 s10, $0x12  }
0xb: {  	s10 =	simm.s32 $0x40;
	s5 =	sshll.u32 s7, $0xD;
	[smem:$0x7FF] =	sst s3  }
0xc: {  	s6 =	ssub.s32 $0x2, s7;
	s28 =	sshll.u32 s7, $0x11;
	s4 =	sor.u32 s5, s4  }
0xd: {  	_ =	strace $0x80000047;
	s24 =	sshrl.u32 s6, $0x1;
	s8 =	sshll.u32 s4, $0x4  }
.Ltmp0:
0xe: {  	s9 =	ssub.s32 s6, s24;
	s4 =	sshrl.u32 s4, $0x3;
	(pc) =	sbr.rel .LBB2_1-.Ltmp0, $4  }
0xf: {  	s24 =	simm.s32 $0x10000;
	s25 =	sadd.s32 s8, s2;
	s4 =	sadd.s32 s0, s4  }
0x10: {  	s0 =	sadd.s32 s26, s2;
	s7 =	smax.u32 s9, $0x1;
	s9 =	simm.s32 $0x4  }
0x11: {  	s26 =	simm.s32 $0x12000;
	s2 =	simm.s32 $0x18000;
	s5 =	sadd.s32 $0x1E000, s25  }
0x12: {  	s6 =	sadd.s32 $0x1F000, s25;
	s21 =	sadd.s32 s28, s0;
	s0 =	simm.s32 $0x2C0  }
.LBB2_4:
0x13: {  	_ =	swait.ge [sflag:s13], $0x2000  }
0x14: {  	[sflag:s13] =	ssyncset.done $0x0  }
0x15: {  	[sflag:s13] =	ssyncadd.s32 $0xFFFFE000  }
0x16: {  	_ =	swait.ge [sflag:s13], $0x2000  }
0x17: {  	[sflag:s13] =	ssyncset.done $0x0  }
0x18: {  	[sflag:s13] =	ssyncadd.s32 $0xFFFFE000  }
0x19: {  	_ =	swait.ge [sflag:s13], $0x2000  }
0x1a: {  	[sflag:s13] =	ssyncset.done $0x0  }
0x1b: {  	[sflag:s13] =	ssyncadd.s32 $0xFFFFE000  }
0x1c: {  	_ =	swait.ge [sflag:s13], $0x2000  }
0x1d: {  	[sflag:s13] =	ssyncset.done $0x0  }
0x1e: {  	[sflag:s13] =	ssyncadd.s32 $0xFFFFE000  }
0x1f: {  	[hbm4b:s5+s3] =	stream.linear.scatter [tilespmem:s11], [sflag:$0x4], $0x8000, $0x38;
	[tilespmem:$0x1A000] =	vst v63  }
0x20: {  	_ =	swait.ge [sflag:s9], $0x8000  }
0x21: {  	[sflag:s9] =	ssyncset.done $0x0  }
0x22: {  	[sflag:s9] =	ssyncadd.s32 $0xFFFF8000  }
0x23: {  	_ =	swait.ge [sflag:s15], $0x2000  }
0x24: {  	[sflag:s15] =	ssyncset.done $0x0  }
0x25: {  	[sflag:s15] =	ssyncadd.s32 $0xFFFFE000  }
0x26: {  	_ =	swait.ge [sflag:s15], $0x2000  }
0x27: {  	[sflag:s15] =	ssyncset.done $0x0  }
0x28: {  	[sflag:s15] =	ssyncadd.s32 $0xFFFFE000  }
0x29: {  	_ =	swait.ge [sflag:s15], $0x2000  }
0x2a: {  	[sflag:s15] =	ssyncset.done $0x0  }
0x2b: {  	[sflag:s15] =	ssyncadd.s32 $0xFFFFE000  }
0x2c: {  	s19 =	sadd.s32 $0x1, s19;
	_ =	swait.ge [sflag:s15], $0x2000  }
0x2d: {  	p0 =	sne.s32 s19, s7;
	[sflag:s15] =	ssyncset.done $0x0  }
.Ltmp1:
0x2e: {  	[sflag:s15] =	ssyncadd.s32 $0xFFFFE000;
	(pc) =	sbr.rel @!p0 .LBB2_5-.Ltmp1, $4  }
0x2f: {  	[hbm4b:s6+s3] =	stream.linear.scatter [tilespmem:s18], [sflag:$0x4], $0x8000, $0x38;
	[tilespmem:$0x1A000] =	vst v63  }
0x30: {  	_ =	swait.ge [sflag:s9], $0x8000  }
0x31: {  	[sflag:s9] =	ssyncset.done $0x0  }
0x32: {  	[sflag:s9] =	ssyncadd.s32 $0xFFFF8000  }
.LBB2_1:
0x33: {  	[tilespmem:s3], [sflag:$0x4] =	stream.linear.gather [hbm4b:s4+s3], $0x2000, $0x38;
	[tilespmem:$0x1A000] =	vst v63  }
0x34: {  	_ =	swait.ge [sflag:s9], $0x2000  }
0x35: {  	[sflag:s9] =	ssyncset.done $0x0  }
0x36: {  	[sflag:s9] =	ssyncadd.s32 $0xFFFFE000  }
0x37: {  	v0 =	vld [tilespmem:$0x0]  }
0x38: {  	v1 =	vld [tilespmem:$0x10]  }
0x39: {  	v2 =	vld [tilespmem:$0x20]  }
0x3a: {  	v3 =	vld [tilespmem:$0x30]  }
0x3b: {  	v4 =	vld [tilespmem:$0x40]  }
0x3c: {  	v5 =	vld [tilespmem:$0x50];
	v0 =	vshrl.u32 v0, $0x3  }
0x3d: {  	v34 =	vld [tilespmem:$0x60];
	v33 =	vshrl.u32 v1, $0x3;
	[tilespmem:$0x0] =	vst v0  }
0x3e: {  	v36 =	vld [tilespmem:$0x70];
	v35 =	vshrl.u32 v2, $0x3;
	[tilespmem:$0x10] =	vst v33  }
0x3f: {  	v38 =	vld [tilespmem:$0x80];
	v37 =	vshrl.u32 v3, $0x3;
	[tilespmem:$0x20] =	vst v35  }
0x40: {  	v40 =	vld [tilespmem:$0x90];
	v39 =	vshrl.u32 v4, $0x3;
	[tilespmem:$0x30] =	vst v37  }
0x41: {  	v42 =	vld [tilespmem:$0xA0];
	v41 =	vshrl.u32 v5, $0x3;
	[tilespmem:$0x40] =	vst v39  }
0x42: {  	v44 =	vld [tilespmem:$0xB0];
	v43 =	vshrl.u32 v34, $0x3;
	[tilespmem:$0x50] =	vst v41  }
0x43: {  	v46 =	vld [tilespmem:$0xC0];
	v45 =	vshrl.u32 v36, $0x3;
	[tilespmem:$0x60] =	vst v43  }
0x44: {  	v48 =	vld [tilespmem:$0xD0];
	v47 =	vshrl.u32 v38, $0x3;
	[tilespmem:$0x70] =	vst v45  }
0x45: {  	v50 =	vld [tilespmem:$0xE0];
	v49 =	vshrl.u32 v40, $0x3;
	[tilespmem:$0x80] =	vst v47  }
0x46: {  	v52 =	vld [tilespmem:$0xF0];
	v51 =	vshrl.u32 v42, $0x3;
	[tilespmem:$0x90] =	vst v49  }
0x47: {  	v53 =	vshrl.u32 v44, $0x3;
	[tilespmem:$0xA0] =	vst v51  }
0x48: {  	v54 =	vshrl.u32 v46, $0x3;
	[tilespmem:$0xB0] =	vst v53  }
0x49: {  	v55 =	vshrl.u32 v48, $0x3;
	[tilespmem:$0xC0] =	vst v54  }
0x4a: {  	v56 =	vshrl.u32 v50, $0x3;
	[tilespmem:$0xD0] =	vst v55  }
0x4b: {  	v57 =	vshrl.u32 v52, $0x3;
	[tilespmem:$0xE0] =	vst v56  }
0x4c: {  	[tilespmem:$0xF0] =	vst v57  }
0x4d: {  	[tilespmem:s11], [sflag:$0x1] =	stream.indirect.gather [hbm4b:s1+s10], $0x80, s3, s10, $0xb8;
	[tilespmem:$0x1A000] =	vst v63  }
0x4e: {  	_ = 	snop  }
0x4f: {  	[tilespmem:s12], [sflag:$0x1] =	stream.indirect.gather [hbm4b:s1+s10], $0x80, s10, s10, $0xb8;
	[tilespmem:$0x1A000] =	vst v63  }
0x50: {  	s8 =	simm.s32 $0x80  }
0x51: {  	[tilespmem:s14], [sflag:$0x1] =	stream.indirect.gather [hbm4b:s1+s10], $0x80, s8, s10, $0xb8;
	[tilespmem:$0x1A000] =	vst v63  }
0x52: {  	s28 =	simm.s32 $0xC0  }
0x53: {  	[tilespmem:s16], [sflag:$0x1] =	stream.indirect.gather [hbm4b:s1+s10], $0x80, s28, s10, $0xb8;
	[tilespmem:$0x1A000] =	vst v63  }
0x54: {  	v58 =	vld [tilespmem:$0x100]  }
0x55: {  	v59 =	vld [tilespmem:$0x110]  }
0x56: {  	v60 =	vld [tilespmem:$0x120]  }
0x57: {  	v61 =	vld [tilespmem:$0x130]  }
0x58: {  	v62 =	vld [tilespmem:$0x140]  }
0x59: {  	v63 =	vld [tilespmem:$0x150];
	v0 =	vshrl.u32 v58, $0x3  }
0x5a: {  	v9 =	vld [tilespmem:$0x160];
	v8 =	vshrl.u32 v59, $0x3;
	[tilespmem:$0x100] =	vst v0  }
0x5b: {  	v11 =	vld [tilespmem:$0x170];
	v10 =	vshrl.u32 v60, $0x3;
	[tilespmem:$0x110] =	vst v8  }
0x5c: {  	v13 =	vld [tilespmem:$0x180];
	v12 =	vshrl.u32 v61, $0x3;
	[tilespmem:$0x120] =	vst v10  }
0x5d: {  	v15 =	vld [tilespmem:$0x190];
	v14 =	vshrl.u32 v62, $0x3;
	[tilespmem:$0x130] =	vst v12  }
0x5e: {  	v17 =	vld [tilespmem:$0x1A0];
	v16 =	vshrl.u32 v63, $0x3;
	[tilespmem:$0x140] =	vst v14  }
0x5f: {  	v19 =	vld [tilespmem:$0x1B0];
	v18 =	vshrl.u32 v9, $0x3;
	[tilespmem:$0x150] =	vst v16  }
0x60: {  	v21 =	vld [tilespmem:$0x1C0];
	v20 =	vshrl.u32 v11, $0x3;
	[tilespmem:$0x160] =	vst v18  }
0x61: {  	v23 =	vld [tilespmem:$0x1D0];
	v22 =	vshrl.u32 v13, $0x3;
	[tilespmem:$0x170] =	vst v20  }
0x62: {  	v25 =	vld [tilespmem:$0x1E0];
	v24 =	vshrl.u32 v15, $0x3;
	[tilespmem:$0x180] =	vst v22  }
0x63: {  	v27 =	vld [tilespmem:$0x1F0];
	v26 =	vshrl.u32 v17, $0x3;
	[tilespmem:$0x190] =	vst v24  }
0x64: {  	v28 =	vshrl.u32 v19, $0x3;
	[tilespmem:$0x1A0] =	vst v26  }
0x65: {  	v29 =	vshrl.u32 v21, $0x3;
	[tilespmem:$0x1B0] =	vst v28  }
0x66: {  	v30 =	vshrl.u32 v23, $0x3;
	[tilespmem:$0x1C0] =	vst v29  }
0x67: {  	v31 =	vshrl.u32 v25, $0x3;
	[tilespmem:$0x1D0] =	vst v30  }
0x68: {  	v32 =	vshrl.u32 v27, $0x3;
	[tilespmem:$0x1E0] =	vst v31  }
0x69: {  	s23 =	simm.s32 $0x100;
	[tilespmem:$0x1F0] =	vst v32  }
0x6a: {  	[tilespmem:s18], [sflag:$0x2] =	stream.indirect.gather [hbm4b:s1+s10], $0x80, s23, s10, $0xb8;
	[tilespmem:$0x1A000] =	vst v63  }
0x6b: {  	s25 =	simm.s32 $0x140  }
0x6c: {  	[tilespmem:s20], [sflag:$0x2] =	stream.indirect.gather [hbm4b:s1+s10], $0x80, s25, s10, $0xb8;
	[tilespmem:$0x1A000] =	vst v63  }
0x6d: {  	s28 =	simm.s32 $0x180  }
0x6e: {  	[tilespmem:s22], [sflag:$0x2] =	stream.indirect.gather [hbm4b:s1+s10], $0x80, s28, s10, $0xb8;
	[tilespmem:$0x1A000] =	vst v63  }
0x6f: {  	s23 =	simm.s32 $0x1C0  }
0x70: {  	[tilespmem:s24], [sflag:$0x2] =	stream.indirect.gather [hbm4b:s1+s10], $0x80, s23, s10, $0xb8;
	[tilespmem:$0x1A000] =	vst v63  }
0x71: {  	v33 =	vld [tilespmem:$0x200]  }
0x72: {  	v34 =	vld [tilespmem:$0x210]  }
0x73: {  	v35 =	vld [tilespmem:$0x220]  }
0x74: {  	v36 =	vld [tilespmem:$0x230]  }
0x75: {  	v37 =	vld [tilespmem:$0x240]  }
0x76: {  	v38 =	vld [tilespmem:$0x250];
	v0 =	vshrl.u32 v33, $0x3  }
0x77: {  	v40 =	vld [tilespmem:$0x260];
	v39 =	vshrl.u32 v34, $0x3;
	[tilespmem:$0x200] =	vst v0  }
0x78: {  	v42 =	vld [tilespmem:$0x270];
	v41 =	vshrl.u32 v35, $0x3;
	[tilespmem:$0x210] =	vst v39  }
0x79: {  	v44 =	vld [tilespmem:$0x280];
	v43 =	vshrl.u32 v36, $0x3;
	[tilespmem:$0x220] =	vst v41  }
0x7a: {  	v46 =	vld [tilespmem:$0x290];
	v45 =	vshrl.u32 v37, $0x3;
	[tilespmem:$0x230] =	vst v43  }
0x7b: {  	v48 =	vld [tilespmem:$0x2A0];
	v47 =	vshrl.u32 v38, $0x3;
	[tilespmem:$0x240] =	vst v45  }
0x7c: {  	v50 =	vld [tilespmem:$0x2B0];
	v49 =	vshrl.u32 v40, $0x3;
	[tilespmem:$0x250] =	vst v47  }
0x7d: {  	v52 =	vld [tilespmem:$0x2C0];
	v51 =	vshrl.u32 v42, $0x3;
	[tilespmem:$0x260] =	vst v49  }
0x7e: {  	v54 =	vld [tilespmem:$0x2D0];
	v53 =	vshrl.u32 v44, $0x3;
	[tilespmem:$0x270] =	vst v51  }
0x7f: {  	v56 =	vld [tilespmem:$0x2E0];
	v55 =	vshrl.u32 v46, $0x3;
	[tilespmem:$0x280] =	vst v53  }
0x80: {  	v58 =	vld [tilespmem:$0x2F0];
	v57 =	vshrl.u32 v48, $0x3;
	[tilespmem:$0x290] =	vst v55  }
0x81: {  	v59 =	vshrl.u32 v50, $0x3;
	[tilespmem:$0x2A0] =	vst v57  }
0x82: {  	v60 =	vshrl.u32 v52, $0x3;
	[tilespmem:$0x2B0] =	vst v59  }
0x83: {  	v61 =	vshrl.u32 v54, $0x3;
	[tilespmem:$0x2C0] =	vst v60  }
0x84: {  	v62 =	vshrl.u32 v56, $0x3;
	[tilespmem:$0x2D0] =	vst v61  }
0x85: {  	v63 =	vshrl.u32 v58, $0x3;
	[tilespmem:$0x2E0] =	vst v62  }
0x86: {  	s25 =	simm.s32 $0x200;
	[tilespmem:$0x2F0] =	vst v63  }
0x87: {  	[tilespmem:s26], [sflag:$0x3] =	stream.indirect.gather [hbm4b:s1+s10], $0x80, s25, s10, $0xb8;
	[tilespmem:$0x1A000] =	vst v63  }
0x88: {  	s28 =	simm.s32 $0x240  }
0x89: {  	[tilespmem:s29], [sflag:$0x3] =	stream.indirect.gather [hbm4b:s1+s10], $0x80, s28, s10, $0xb8;
	[tilespmem:$0x1A000] =	vst v63  }
0x8a: {  	_ = 	snop  }
0x8b: {  	[tilespmem:s31], [sflag:$0x3] =	stream.indirect.gather [hbm4b:s1+s10], $0x80, s30, s10, $0xb8;
	[tilespmem:$0x1A000] =	vst v63  }
0x8c: {  	s8 =	smov.u32 s21;
	s23 =	simm.s32 $0x0  }
0x8d: {  	[tilespmem:s2], [sflag:$0x3] =	stream.indirect.gather [hbm4b:s1+s10], $0x80, s0, s10, $0xb8;
	[tilespmem:$0x1A000] =	vst v63  }
.LBB2_2:
0x8e: {  	_ =	swait.ge [sflag:s13], $0x2000  }
0x8f: {  	[sflag:s13] =	ssyncset.done $0x0  }
0x90: {  	[sflag:s13] =	ssyncadd.s32 $0xFFFFE000  }
0x91: {  	_ =	swait.ge [sflag:s13], $0x2000  }
0x92: {  	[sflag:s13] =	ssyncset.done $0x0  }
0x93: {  	[sflag:s13] =	ssyncadd.s32 $0xFFFFE000  }
0x94: {  	_ =	swait.ge [sflag:s13], $0x2000  }
0x95: {  	[sflag:s13] =	ssyncset.done $0x0  }
0x96: {  	[sflag:s13] =	ssyncadd.s32 $0xFFFFE000  }
0x97: {  	_ =	swait.ge [sflag:s13], $0x2000  }
0x98: {  	[sflag:s13] =	ssyncset.done $0x0  }
0x99: {  	[sflag:s13] =	ssyncadd.s32 $0xFFFFE000  }
0x9a: {  	[hbm4b:s8+s3] =	stream.linear.scatter [tilespmem:s11], [sflag:$0x4], $0x8000, $0x38;
	[tilespmem:$0x1A000] =	vst v63  }
0x9b: {  	_ =	swait.ge [sflag:s9], $0x8000  }
0x9c: {  	[sflag:s9] =	ssyncset.done $0x0  }
0x9d: {  	s25 =	sshra.s32 s23, $0x2;
	[sflag:s9] =	ssyncadd.s32 $0xFFFF8000  }
0x9e: {  	v0 =	vld [tilespmem:s25+$0x300]  }
0x9f: {  	v1 =	vld [tilespmem:s25+$0x310]  }
0xa0: {  	v2 =	vld [tilespmem:s25+$0x320]  }
0xa1: {  	v3 =	vld [tilespmem:s25+$0x330]  }
0xa2: {  	v4 =	vld [tilespmem:s25+$0x340]  }
0xa3: {  	v5 =	vld [tilespmem:s25+$0x350];
	v0 =	vshrl.u32 v0, $0x3  }
0xa4: {  	v9 =	vld [tilespmem:s25+$0x360];
	v8 =	vshrl.u32 v1, $0x3;
	[tilespmem:s25+$0x300] =	vst v0  }
0xa5: {  	v11 =	vld [tilespmem:s25+$0x370];
	v10 =	vshrl.u32 v2, $0x3;
	[tilespmem:s25+$0x310] =	vst v8  }
0xa6: {  	v13 =	vld [tilespmem:s25+$0x380];
	v12 =	vshrl.u32 v3, $0x3;
	[tilespmem:s25+$0x320] =	vst v10  }
0xa7: {  	v15 =	vld [tilespmem:s25+$0x390];
	v14 =	vshrl.u32 v4, $0x3;
	[tilespmem:s25+$0x330] =	vst v12  }
0xa8: {  	v17 =	vld [tilespmem:s25+$0x3A0];
	v16 =	vshrl.u32 v5, $0x3;
	[tilespmem:s25+$0x340] =	vst v14  }
0xa9: {  	v19 =	vld [tilespmem:s25+$0x3B0];
	v18 =	vshrl.u32 v9, $0x3;
	[tilespmem:s25+$0x350] =	vst v16  }
0xaa: {  	v21 =	vld [tilespmem:s25+$0x3C0];
	v20 =	vshrl.u32 v11, $0x3;
	[tilespmem:s25+$0x360] =	vst v18  }
0xab: {  	v23 =	vld [tilespmem:s25+$0x3D0];
	v22 =	vshrl.u32 v13, $0x3;
	[tilespmem:s25+$0x370] =	vst v20  }
0xac: {  	v25 =	vld [tilespmem:s25+$0x3E0];
	v24 =	vshrl.u32 v15, $0x3;
	[tilespmem:s25+$0x380] =	vst v22  }
0xad: {  	v27 =	vld [tilespmem:s25+$0x3F0];
	v26 =	vshrl.u32 v17, $0x3;
	[tilespmem:s25+$0x390] =	vst v24  }
0xae: {  	v28 =	vshrl.u32 v19, $0x3;
	[tilespmem:s25+$0x3A0] =	vst v26  }
0xaf: {  	v29 =	vshrl.u32 v21, $0x3;
	[tilespmem:s25+$0x3B0] =	vst v28  }
0xb0: {  	v30 =	vshrl.u32 v23, $0x3;
	[tilespmem:s25+$0x3C0] =	vst v29  }
0xb1: {  	v31 =	vshrl.u32 v25, $0x3;
	[tilespmem:s25+$0x3D0] =	vst v30  }
0xb2: {  	v32 =	vshrl.u32 v27, $0x3;
	[tilespmem:s25+$0x3E0] =	vst v31  }
0xb3: {  	s28 =	sadd.s32 $0x300, s25;
	[tilespmem:s25+$0x3F0] =	vst v32  }
0xb4: {  	[tilespmem:s11], [sflag:$0x1] =	stream.indirect.gather [hbm4b:s1+s10], $0x80, s28, s10, $0xb8;
	[tilespmem:$0x1A000] =	vst v63  }
0xb5: {  	s28 =	sadd.s32 $0x340, s25  }
0xb6: {  	[tilespmem:s12], [sflag:$0x1] =	stream.indirect.gather [hbm4b:s1+s10], $0x80, s28, s10, $0xb8;
	[tilespmem:$0x1A000] =	vst v63  }
0xb7: {  	s28 =	sadd.s32 $0x380, s25  }
0xb8: {  	[tilespmem:s14], [sflag:$0x1] =	stream.indirect.gather [hbm4b:s1+s10], $0x80, s28, s10, $0xb8;
	[tilespmem:$0x1A000] =	vst v63  }
0xb9: {  	s28 =	sadd.s32 $0x3C0, s25  }
0xba: {  	[tilespmem:s16], [sflag:$0x1] =	stream.indirect.gather [hbm4b:s1+s10], $0x80, s28, s10, $0xb8;
	[tilespmem:$0x1A000] =	vst v63  }
0xbb: {  	_ =	swait.ge [sflag:s15], $0x2000  }
0xbc: {  	[sflag:s15] =	ssyncset.done $0x0  }
0xbd: {  	[sflag:s15] =	ssyncadd.s32 $0xFFFFE000  }
0xbe: {  	_ =	swait.ge [sflag:s15], $0x2000  }
0xbf: {  	[sflag:s15] =	ssyncset.done $0x0  }
0xc0: {  	[sflag:s15] =	ssyncadd.s32 $0xFFFFE000  }
0xc1: {  	_ =	swait.ge [sflag:s15], $0x2000  }
0xc2: {  	[sflag:s15] =	ssyncset.done $0x0  }
0xc3: {  	[sflag:s15] =	ssyncadd.s32 $0xFFFFE000  }
0xc4: {  	_ =	swait.ge [sflag:s15], $0x2000  }
0xc5: {  	[sflag:s15] =	ssyncset.done $0x0  }
0xc6: {  	s28 =	sadd.s32 $0x1000, s8;
	[sflag:s15] =	ssyncadd.s32 $0xFFFFE000  }
0xc7: {  	[hbm4b:s28+s3] =	stream.linear.scatter [tilespmem:s18], [sflag:$0x4], $0x8000, $0x38;
	[tilespmem:$0x1A000] =	vst v63  }
0xc8: {  	_ =	swait.ge [sflag:s9], $0x8000  }
0xc9: {  	[sflag:s9] =	ssyncset.done $0x0  }
0xca: {  	[sflag:s9] =	ssyncadd.s32 $0xFFFF8000  }
0xcb: {  	v33 =	vld [tilespmem:s25+$0x400]  }
0xcc: {  	v34 =	vld [tilespmem:s25+$0x410]  }
0xcd: {  	v35 =	vld [tilespmem:s25+$0x420]  }
0xce: {  	v36 =	vld [tilespmem:s25+$0x430]  }
0xcf: {  	v37 =	vld [tilespmem:s25+$0x440]  }
0xd0: {  	v38 =	vld [tilespmem:s25+$0x450];
	v0 =	vshrl.u32 v33, $0x3  }
0xd1: {  	v40 =	vld [tilespmem:s25+$0x460];
	v39 =	vshrl.u32 v34, $0x3;
	[tilespmem:s25+$0x400] =	vst v0  }
0xd2: {  	v42 =	vld [tilespmem:s25+$0x470];
	v41 =	vshrl.u32 v35, $0x3;
	[tilespmem:s25+$0x410] =	vst v39  }
0xd3: {  	v44 =	vld [tilespmem:s25+$0x480];
	v43 =	vshrl.u32 v36, $0x3;
	[tilespmem:s25+$0x420] =	vst v41  }
0xd4: {  	v46 =	vld [tilespmem:s25+$0x490];
	v45 =	vshrl.u32 v37, $0x3;
	[tilespmem:s25+$0x430] =	vst v43  }
0xd5: {  	v48 =	vld [tilespmem:s25+$0x4A0];
	v47 =	vshrl.u32 v38, $0x3;
	[tilespmem:s25+$0x440] =	vst v45  }
0xd6: {  	v50 =	vld [tilespmem:s25+$0x4B0];
	v49 =	vshrl.u32 v40, $0x3;
	[tilespmem:s25+$0x450] =	vst v47  }
0xd7: {  	v52 =	vld [tilespmem:s25+$0x4C0];
	v51 =	vshrl.u32 v42, $0x3;
	[tilespmem:s25+$0x460] =	vst v49  }
0xd8: {  	v54 =	vld [tilespmem:s25+$0x4D0];
	v53 =	vshrl.u32 v44, $0x3;
	[tilespmem:s25+$0x470] =	vst v51  }
0xd9: {  	v56 =	vld [tilespmem:s25+$0x4E0];
	v55 =	vshrl.u32 v46, $0x3;
	[tilespmem:s25+$0x480] =	vst v53  }
0xda: {  	v58 =	vld [tilespmem:s25+$0x4F0];
	v57 =	vshrl.u32 v48, $0x3;
	[tilespmem:s25+$0x490] =	vst v55  }
0xdb: {  	v59 =	vshrl.u32 v50, $0x3;
	[tilespmem:s25+$0x4A0] =	vst v57  }
0xdc: {  	v60 =	vshrl.u32 v52, $0x3;
	[tilespmem:s25+$0x4B0] =	vst v59  }
0xdd: {  	v61 =	vshrl.u32 v54, $0x3;
	[tilespmem:s25+$0x4C0] =	vst v60  }
0xde: {  	v62 =	vshrl.u32 v56, $0x3;
	[tilespmem:s25+$0x4D0] =	vst v61  }
0xdf: {  	v63 =	vshrl.u32 v58, $0x3;
	[tilespmem:s25+$0x4E0] =	vst v62  }
0xe0: {  	s28 =	sadd.s32 $0x400, s25;
	[tilespmem:s25+$0x4F0] =	vst v63  }
0xe1: {  	[tilespmem:s18], [sflag:$0x2] =	stream.indirect.gather [hbm4b:s1+s10], $0x80, s28, s10, $0xb8;
	[tilespmem:$0x1A000] =	vst v63  }
0xe2: {  	s28 =	sadd.s32 $0x440, s25  }
0xe3: {  	[tilespmem:s20], [sflag:$0x2] =	stream.indirect.gather [hbm4b:s1+s10], $0x80, s28, s10, $0xb8;
	[tilespmem:$0x1A000] =	vst v63  }
0xe4: {  	s28 =	sadd.s32 $0x480, s25  }
0xe5: {  	[tilespmem:s22], [sflag:$0x2] =	stream.indirect.gather [hbm4b:s1+s10], $0x80, s28, s10, $0xb8;
	[tilespmem:$0x1A000] =	vst v63  }
0xe6: {  	s28 =	sadd.s32 $0x4C0, s25  }
0xe7: {  	[tilespmem:s24], [sflag:$0x2] =	stream.indirect.gather [hbm4b:s1+s10], $0x80, s28, s10, $0xb8;
	[tilespmem:$0x1A000] =	vst v63  }
0xe8: {  	_ =	swait.ge [sflag:s17], $0x2000  }
0xe9: {  	[sflag:s17] =	ssyncset.done $0x0  }
0xea: {  	[sflag:s17] =	ssyncadd.s32 $0xFFFFE000  }
0xeb: {  	_ =	swait.ge [sflag:s17], $0x2000  }
0xec: {  	[sflag:s17] =	ssyncset.done $0x0  }
0xed: {  	[sflag:s17] =	ssyncadd.s32 $0xFFFFE000  }
0xee: {  	_ =	swait.ge [sflag:s17], $0x2000  }
0xef: {  	[sflag:s17] =	ssyncset.done $0x0  }
0xf0: {  	[sflag:s17] =	ssyncadd.s32 $0xFFFFE000  }
0xf1: {  	_ =	swait.ge [sflag:s17], $0x2000  }
0xf2: {  	p0 =	seq.s32 s23, $0x6C00;
	[sflag:s17] =	ssyncset.done $0x0  }
.Ltmp2:
0xf3: {  	s28 =	sadd.s32 $0x2000, s8;
	[sflag:s17] =	ssyncadd.s32 $0xFFFFE000;
	(pc) =	sbr.rel @p0 .LBB2_4-.Ltmp2, $4  }
0xf4: {  	[hbm4b:s28+s3] =	stream.linear.scatter [tilespmem:s26], [sflag:$0x4], $0x8000, $0x38;
	[tilespmem:$0x1A000] =	vst v63  }
0xf5: {  	_ =	swait.ge [sflag:s9], $0x8000  }
0xf6: {  	[sflag:s9] =	ssyncset.done $0x0  }
0xf7: {  	[sflag:s9] =	ssyncadd.s32 $0xFFFF8000  }
0xf8: {  	v0 =	vld [tilespmem:s25+$0x500]  }
0xf9: {  	v1 =	vld [tilespmem:s25+$0x510]  }
0xfa: {  	v2 =	vld [tilespmem:s25+$0x520]  }
0xfb: {  	v3 =	vld [tilespmem:s25+$0x530]  }
0xfc: {  	v4 =	vld [tilespmem:s25+$0x540]  }
0xfd: {  	v5 =	vld [tilespmem:s25+$0x550];
	v0 =	vshrl.u32 v0, $0x3  }
0xfe: {  	v40 =	vld [tilespmem:s25+$0x560];
	v39 =	vshrl.u32 v1, $0x3;
	[tilespmem:s25+$0x500] =	vst v0  }
0xff: {  	v42 =	vld [tilespmem:s25+$0x570];
	v41 =	vshrl.u32 v2, $0x3;
	[tilespmem:s25+$0x510] =	vst v39  }
0x100: {  	v44 =	vld [tilespmem:s25+$0x580];
	v43 =	vshrl.u32 v3, $0x3;
	[tilespmem:s25+$0x520] =	vst v41  }
0x101: {  	v46 =	vld [tilespmem:s25+$0x590];
	v45 =	vshrl.u32 v4, $0x3;
	[tilespmem:s25+$0x530] =	vst v43  }
0x102: {  	v48 =	vld [tilespmem:s25+$0x5A0];
	v47 =	vshrl.u32 v5, $0x3;
	[tilespmem:s25+$0x540] =	vst v45  }
0x103: {  	v50 =	vld [tilespmem:s25+$0x5B0];
	v49 =	vshrl.u32 v40, $0x3;
	[tilespmem:s25+$0x550] =	vst v47  }
0x104: {  	v52 =	vld [tilespmem:s25+$0x5C0];
	v51 =	vshrl.u32 v42, $0x3;
	[tilespmem:s25+$0x560] =	vst v49  }
0x105: {  	v54 =	vld [tilespmem:s25+$0x5D0];
	v53 =	vshrl.u32 v44, $0x3;
	[tilespmem:s25+$0x570] =	vst v51  }
0x106: {  	v56 =	vld [tilespmem:s25+$0x5E0];
	v55 =	vshrl.u32 v46, $0x3;
	[tilespmem:s25+$0x580] =	vst v53  }
0x107: {  	v58 =	vld [tilespmem:s25+$0x5F0];
	v57 =	vshrl.u32 v48, $0x3;
	[tilespmem:s25+$0x590] =	vst v55  }
0x108: {  	v59 =	vshrl.u32 v50, $0x3;
	[tilespmem:s25+$0x5A0] =	vst v57  }
0x109: {  	v60 =	vshrl.u32 v52, $0x3;
	[tilespmem:s25+$0x5B0] =	vst v59  }
0x10a: {  	v61 =	vshrl.u32 v54, $0x3;
	[tilespmem:s25+$0x5C0] =	vst v60  }
0x10b: {  	v62 =	vshrl.u32 v56, $0x3;
	[tilespmem:s25+$0x5D0] =	vst v61  }
0x10c: {  	v63 =	vshrl.u32 v58, $0x3;
	[tilespmem:s25+$0x5E0] =	vst v62  }
0x10d: {  	s28 =	sadd.s32 $0x500, s25;
	[tilespmem:s25+$0x5F0] =	vst v63  }
0x10e: {  	[tilespmem:s26], [sflag:$0x3] =	stream.indirect.gather [hbm4b:s1+s10], $0x80, s28, s10, $0xb8;
	[tilespmem:$0x1A000] =	vst v63  }
0x10f: {  	s28 =	sadd.s32 $0x540, s25  }
0x110: {  	[tilespmem:s29], [sflag:$0x3] =	stream.indirect.gather [hbm4b:s1+s10], $0x80, s28, s10, $0xb8;
	[tilespmem:$0x1A000] =	vst v63  }
.Ltmp3:
0x111: {  	_ = 	snop;
	(pc) =	sbr.rel .LBB2_2-.Ltmp3, $4  }
0x112: {  	s28 =	sadd.s32 $0x580, s25  }
0x113: {  	[tilespmem:s31], [sflag:$0x3] =	stream.indirect.gather [hbm4b:s1+s10], $0x80, s28, s10, $0xb8;
	[tilespmem:$0x1A000] =	vst v63  }
0x114: {  	s23 =	sadd.s32 $0xC00, s23;
	s8 =	sadd.s32 $0x3000, s8;
	s28 =	sadd.s32 $0x5C0, s25  }
0x115: {  	[tilespmem:s2], [sflag:$0x3] =	stream.indirect.gather [hbm4b:s1+s10], $0x80, s28, s10, $0xb8;
	[tilespmem:$0x1A000] =	vst v63  }
.LBB2_5:
0x116: {  	_ =	sfence.sel $0x180000  }
0x117: {  	[bflag:$0x0] =	sbarrier.arrive $0xFFFF  }
0x118: {  	_ =	strace $0x90000047  }
0x119: {  	s0 =	stileid.u32;
	[bflag:$0x2] =	sbarrier.arrive $0xFFFF  }
0x11a: {  	p0 =	sne.s32 s0, $0x0;
	s0 =	rddreg [dreg:$0x3]  }
0x11b: {  	s0 =	sadd.s32 @!p0 $0x100000, s0  }
0x11c: {  	[sflag:s0] =	ssyncadd.tile.s32 @!p0 $0x1;
	_ =	shalt  }
.Lfunc_end2:
_tile_overlayer_lowered:
.L_overlay_start_2:
0x11d: {  	(tag) =	ssettag $0x2  }
0x11e: {  	s0 =	rddreg [dreg:$0x0];
	s2 =	stileid.u32  }
0x11f: {  	s1 =	rddreg [dreg:$0x1];
	p0 =	sne.s32 s2, $0x0  }
0x120: {  	s3 =	rddreg [dreg:$0x2];
	[bflag:$0x3] =	sbarrier.arrive $0xFFFF;
	s2 =	simm.s32 @!p0 $0x1C04  }
0x121: {  	[timem:s3], [sflag:s2] =	dma.local @!p0 [hbm:s0], s1  }
0x122: {  	s0 =	simm.s32 @!p0 $0x4  }
0x123: {  	_ =	swait.ge @!p0 [sflag:s0], s1  }
0x124: {  	s1 =	ssub.s32 @!p0 $0x0, s1;
	[sflag:s0] =	ssyncset.done @!p0 $0x0  }
0x125: {  	[sflag:s0] =	ssyncadd.s32 @!p0 s1  }
0x126: {  	[bflag:$0x3] =	sbarrier.arrive $0xFFFF  }
0x127: {  	_ =	shalt  }

</sc_bundles>
